<compile_context>
chip_gen: v7x
topology: tpu7x:2x2x1
jax: 0.10.2.dev20260603
libtpu: 0.0.44.dev20260713+nightly
codegen_flags: <defaults>
</compile_context>

<pallas_src>
import functools

import jax
import jax.numpy as jnp
from jax import lax
from jax.experimental import pallas as pl
from jax.experimental.pallas import tpu as pltpu
from jax.experimental.pallas import tpu_sc as plsc

BATCH = 16384
K = 32
NC = 2
NS = 16
NW = NC * NS
BPW = BATCH // NW
GROUPS = BPW // 16

_MESH = plsc.VectorSubcoreMesh(core_axis_name="c", subcore_axis_name="s")


@functools.partial(
    pl.kernel,
    mesh=_MESH,
    out_type=jax.ShapeDtypeStruct((BATCH,), jnp.float32),
    scratch_types=[
        pltpu.VMEM((BPW,), jnp.int32),
        pltpu.VMEM((BPW,), jnp.int32),
        pltpu.VMEM((BPW, K), jnp.float32),
        pltpu.VMEM((BPW, K), jnp.float32),
        pltpu.VMEM((BPW,), jnp.float32),
        pltpu.SemaphoreType.DMA,
        pltpu.SemaphoreType.DMA,
    ],
    compiler_params=pltpu.CompilerParams(
        needs_layout_passes=False, use_tc_tiling_on_sc=False),
)
def _mf_sc(uid_hbm, iid_hbm, um_hbm, im_hbm, out_hbm,
           uid_v, iid_v, urows_v, irows_v, out_v, sem_u, sem_i):
    wid = lax.axis_index("s") * NC + lax.axis_index("c")
    base = wid * BPW
    pltpu.sync_copy(uid_hbm.at[pl.ds(base, BPW)], uid_v)
    pltpu.sync_copy(iid_hbm.at[pl.ds(base, BPW)], iid_v)
    cu = pltpu.async_copy(um_hbm.at[uid_v], urows_v, sem_u)
    ci = pltpu.async_copy(im_hbm.at[iid_v], irows_v, sem_i)
    cu.wait()
    ci.wait()

    lane = jnp.arange(16, dtype=jnp.int32)

    def g_body(g, _):
        rows = g * 16 + lane
        acc = jnp.zeros((16,), jnp.float32)
        for k in range(K):
            ck = jnp.full((16,), k, jnp.int32)
            u = plsc.load_gather(urows_v, [rows, ck])
            v = plsc.load_gather(irows_v, [rows, ck])
            acc = acc + u * v
        out_v[pl.ds(g * 16, 16)] = acc
        return 0

    lax.fori_loop(0, GROUPS, g_body, 0)
    pltpu.sync_copy(out_v, out_hbm.at[pl.ds(base, BPW)])


def kernel(x, user_m, item_m):
    user_ids = x[:, 0]
    item_ids = x[:, 1]
    return _mf_sc(user_ids, item_ids, user_m, item_m)

# --- scband reference (transcript-rebuilt; emitter-appended) ---
"""Pipeline reference for scband-mf-7258494730567 (READ-ONLY COPY).

The authoritative reference and input builder live on the scoring server;
editing this copy changes nothing except your own understanding.
"""

import jax, jax.numpy as jnp
import numpy as np

N_USERS = 1000000
K = 32
BATCH = 16384

def setup_inputs(seed: int = 0) -> dict:
    key = jax.random.key(seed)
    k1, k2, k3 = jax.random.split(key, 3)
    x = jax.random.randint(k1, (BATCH, 2), 0, N_USERS, dtype=jnp.int64 if jax.config.jax_enable_x64 else jnp.int32).astype(jnp.int32)
    # Note: original module (faithfully) sizes BOTH tables with n_users.
    user_m = jax.random.normal(k2, (N_USERS, K), dtype=jnp.float32)
    item_m = jax.random.normal(k3, (N_USERS, K), dtype=jnp.float32)
    return {"x": x, "user_m": user_m, "item_m": item_m}

def reference(x, user_m, item_m):
    user_ids = x[:, 0]
    item_ids = x[:, 1]
    user_embeds = jnp.take(user_m, user_ids, axis=0)
    item_embeds = jnp.take(item_m, item_ids, axis=0)
    prod = user_embeds * item_embeds
    out = jnp.sum(prod, axis=1)
    return out

if __name__ == "__main__":
    import jax
    _d = setup_inputs()
    print(jax.jit(kernel)(*tuple(_d.values())))

</pallas_src>

<mosaic_0001>
#map = affine_map<(d0, d1) -> (0)>
#map1 = affine_map<(d0, d1) -> (0, 0)>
module attributes {stable_mosaic.version = 14 : i64} {
  func.func @_mf_sc(%arg0: i32, %arg1: i32, %arg2: memref<16384xi32, #tpu.memory_space<hbm>>, %arg3: memref<16384xi32, #tpu.memory_space<hbm>>, %arg4: memref<1000000x32xf32, #tpu.memory_space<hbm>>, %arg5: memref<1000000x32xf32, #tpu.memory_space<hbm>>, %arg6: memref<16384xf32, #tpu.memory_space<hbm>>, %arg7: memref<512xi32, #tpu.memory_space<vmem>>, %arg8: memref<512xi32, #tpu.memory_space<vmem>>, %arg9: memref<512x32xf32, #tpu.memory_space<vmem>>, %arg10: memref<512x32xf32, #tpu.memory_space<vmem>>, %arg11: memref<512xf32, #tpu.memory_space<vmem>>, %arg12: memref<!tpu.dma_semaphore, #tpu.memory_space<semaphore_mem>>, %arg13: memref<!tpu.dma_semaphore, #tpu.memory_space<semaphore_mem>>) attributes {dimension_semantics = [#tpu.dimension_semantics<core_parallel>, #tpu.dimension_semantics<subcore_parallel>], iteration_bounds = array<i64: 2, 16>, scalar_prefetch = 0 : i64, scratch_operands = 7 : i64, tpu.core_type = #tpu.core_type<sc_vector_subcore>, window_params = [{transform_indices = #map}, {transform_indices = #map}, {transform_indices = #map1}, {transform_indices = #map1}, {transform_indices = #map}]} {
    %mul3A = arith.constant 2 : i32
    %mul3A_0 = arith.muli %arg1, %mul3A : i32
    %add3A = arith.addi %mul3A_0, %arg0 : i32
    %mul3A_1 = arith.constant 512 : i32
    %mul3A_2 = arith.muli %add3A, %mul3A_1 : i32
    "tpu.region"() ({
      %run_scoped3A = tpu.sem_alloc : memref<!tpu.dma_semaphore, #tpu.memory_space<semaphore_mem>>
      %dma_start3A_19 = tpu.memref_slice %arg2[%mul3A_2] : memref<16384xi32, #tpu.memory_space<hbm>> -> memref<512xi32, #tpu.memory_space<hbm>>
      %dma_start3A_20 = tpu.memref_slice %arg2[%mul3A_2] : memref<16384xi32, #tpu.memory_space<hbm>> -> memref<512xi32, #tpu.memory_space<hbm>>
      tpu.enqueue_dma source(%dma_start3A_20 : memref<512xi32, #tpu.memory_space<hbm>>) target(%arg7 : memref<512xi32, #tpu.memory_space<vmem>>) target_semaphore(%run_scoped3A : memref<!tpu.dma_semaphore, #tpu.memory_space<semaphore_mem>>)
      %dma_wait3A_21 = tpu.memref_slice %arg2[%mul3A_2] : memref<16384xi32, #tpu.memory_space<hbm>> -> memref<512xi32, #tpu.memory_space<hbm>>
      %dma_wait3A_22 = tpu.memref_slice %arg2[%mul3A_2] : memref<16384xi32, #tpu.memory_space<hbm>> -> memref<512xi32, #tpu.memory_space<hbm>>
      tpu.wait_dma2 semaphore(%run_scoped3A : memref<!tpu.dma_semaphore, #tpu.memory_space<semaphore_mem>>) src(%dma_wait3A_22 : memref<512xi32, #tpu.memory_space<hbm>>) dst(%arg7 : memref<512xi32, #tpu.memory_space<vmem>>)
      tpu.yield
    }) : () -> ()
    "tpu.region"() ({
      %run_scoped3A = tpu.sem_alloc : memref<!tpu.dma_semaphore, #tpu.memory_space<semaphore_mem>>
      %dma_start3A_19 = tpu.memref_slice %arg3[%mul3A_2] : memref<16384xi32, #tpu.memory_space<hbm>> -> memref<512xi32, #tpu.memory_space<hbm>>
      %dma_start3A_20 = tpu.memref_slice %arg3[%mul3A_2] : memref<16384xi32, #tpu.memory_space<hbm>> -> memref<512xi32, #tpu.memory_space<hbm>>
      tpu.enqueue_dma source(%dma_start3A_20 : memref<512xi32, #tpu.memory_space<hbm>>) target(%arg8 : memref<512xi32, #tpu.memory_space<vmem>>) target_semaphore(%run_scoped3A : memref<!tpu.dma_semaphore, #tpu.memory_space<semaphore_mem>>)
      %dma_wait3A_21 = tpu.memref_slice %arg3[%mul3A_2] : memref<16384xi32, #tpu.memory_space<hbm>> -> memref<512xi32, #tpu.memory_space<hbm>>
      %dma_wait3A_22 = tpu.memref_slice %arg3[%mul3A_2] : memref<16384xi32, #tpu.memory_space<hbm>> -> memref<512xi32, #tpu.memory_space<hbm>>
      tpu.wait_dma2 semaphore(%run_scoped3A : memref<!tpu.dma_semaphore, #tpu.memory_space<semaphore_mem>>) src(%dma_wait3A_22 : memref<512xi32, #tpu.memory_space<hbm>>) dst(%arg8 : memref<512xi32, #tpu.memory_space<vmem>>)
      tpu.yield
    }) : () -> ()
    %dma_start3A = arith.constant 0 : i32
    %dma_start3A_3 = arith.constant 0 : i32
    %dma_start3A_4 = tpu.memref_slice %arg4[%dma_start3A, %dma_start3A_3] : memref<1000000x32xf32, #tpu.memory_space<hbm>> -> memref<1000000x32xf32, #tpu.memory_space<hbm>>
    tpu.enqueue_indirect_dma source(%dma_start3A_4 : memref<1000000x32xf32, #tpu.memory_space<hbm>>) target(%arg9 : memref<512x32xf32, #tpu.memory_space<vmem>>) offsets(%arg7 : memref<512xi32, #tpu.memory_space<vmem>>) semaphore(%arg12 : memref<!tpu.dma_semaphore, #tpu.memory_space<semaphore_mem>>)
    %dma_start3A_5 = arith.constant 0 : i32
    %dma_start3A_6 = arith.constant 0 : i32
    %dma_start3A_7 = tpu.memref_slice %arg5[%dma_start3A_5, %dma_start3A_6] : memref<1000000x32xf32, #tpu.memory_space<hbm>> -> memref<1000000x32xf32, #tpu.memory_space<hbm>>
    tpu.enqueue_indirect_dma source(%dma_start3A_7 : memref<1000000x32xf32, #tpu.memory_space<hbm>>) target(%arg10 : memref<512x32xf32, #tpu.memory_space<vmem>>) offsets(%arg8 : memref<512xi32, #tpu.memory_space<vmem>>) semaphore(%arg13 : memref<!tpu.dma_semaphore, #tpu.memory_space<semaphore_mem>>)
    %dma_wait3A = arith.constant 0 : i32
    %dma_wait3A_8 = arith.constant 0 : i32
    %dma_wait3A_9 = tpu.memref_slice %arg4[%dma_wait3A, %dma_wait3A_8] : memref<1000000x32xf32, #tpu.memory_space<hbm>> -> memref<1000000x32xf32, #tpu.memory_space<hbm>>
    tpu.wait_indirect_dma semaphore(%arg12 : memref<!tpu.dma_semaphore, #tpu.memory_space<semaphore_mem>>) src(%dma_wait3A_9 : memref<1000000x32xf32, #tpu.memory_space<hbm>>) dst(%arg9 : memref<512x32xf32, #tpu.memory_space<vmem>>)
    %dma_wait3A_10 = arith.constant 0 : i32
    %dma_wait3A_11 = arith.constant 0 : i32
    %dma_wait3A_12 = tpu.memref_slice %arg5[%dma_wait3A_10, %dma_wait3A_11] : memref<1000000x32xf32, #tpu.memory_space<hbm>> -> memref<1000000x32xf32, #tpu.memory_space<hbm>>
    tpu.wait_indirect_dma semaphore(%arg13 : memref<!tpu.dma_semaphore, #tpu.memory_space<semaphore_mem>>) src(%dma_wait3A_12 : memref<1000000x32xf32, #tpu.memory_space<hbm>>) dst(%arg10 : memref<512x32xf32, #tpu.memory_space<vmem>>)
    %iota3A = tpu.iota {dimensions = array<i32: 0>} : vector<16xi32>
    %scan3A = arith.constant 0 : i32
    %scan3A_13 = arith.constant 0 : i32
    %scan3A_14 = arith.constant 32 : i32
    %scan3A_15 = arith.addi %scan3A_13, %scan3A_14 : i32
    %scan3A_16 = arith.constant 1 : i32
    %scan3A_17 = scf.for %scan3A_19 = %scan3A_13 to %scan3A_15 step %scan3A_16 iter_args(%scan3A_20 = %scan3A) -> (i32)  : i32 {
      %mul3A_21 = arith.constant 16 : i32
      %mul3A_22 = arith.muli %scan3A_19, %mul3A_21 : i32
      %add3A_23 = vector.broadcast %mul3A_22 : i32 to vector<16xi32>
      %add3A_24 = arith.addi %add3A_23, %iota3A : vector<16xi32>
      %broadcast_in_dim3A = arith.constant 0.000000e+00 : f32
      %broadcast_in_dim3A_25 = vector.broadcast %broadcast_in_dim3A : f32 to vector<16xf32>
      %broadcast_in_dim3A_26 = arith.constant 0 : i32
      %broadcast_in_dim3A_27 = vector.broadcast %broadcast_in_dim3A_26 : i32 to vector<16xi32>
      %gather3A = tpu.vector_load_idx %arg9[%add3A_24, %broadcast_in_dim3A_27] : memref<512x32xf32, #tpu.memory_space<vmem>>[vector<16xi32>, vector<16xi32>], vector<16xf32>,
      %gather3A_28 = tpu.vector_load_idx %arg10[%add3A_24, %broadcast_in_dim3A_27] : memref<512x32xf32, #tpu.memory_space<vmem>>[vector<16xi32>, vector<16xi32>], vector<16xf32>,
      %mul3A_29 = arith.mulf %gather3A, %gather3A_28 : vector<16xf32>
      %add3A_30 = arith.addf %broadcast_in_dim3A_25, %mul3A_29 : vector<16xf32>
      %broadcast_in_dim3A_31 = arith.constant 1 : i32
      %broadcast_in_dim3A_32 = vector.broadcast %broadcast_in_dim3A_31 : i32 to vector<16xi32>
      %gather3A_33 = tpu.vector_load_idx %arg9[%add3A_24, %broadcast_in_dim3A_32] : memref<512x32xf32, #tpu.memory_space<vmem>>[vector<16xi32>, vector<16xi32>], vector<16xf32>,
      %gather3A_34 = tpu.vector_load_idx %arg10[%add3A_24, %broadcast_in_dim3A_32] : memref<512x32xf32, #tpu.memory_space<vmem>>[vector<16xi32>, vector<16xi32>], vector<16xf32>,
      %mul3A_35 = arith.mulf %gather3A_33, %gather3A_34 : vector<16xf32>
      %add3A_36 = arith.addf %add3A_30, %mul3A_35 : vector<16xf32>
      %broadcast_in_dim3A_37 = arith.constant 2 : i32
      %broadcast_in_dim3A_38 = vector.broadcast %broadcast_in_dim3A_37 : i32 to vector<16xi32>
      %gather3A_39 = tpu.vector_load_idx %arg9[%add3A_24, %broadcast_in_dim3A_38] : memref<512x32xf32, #tpu.memory_space<vmem>>[vector<16xi32>, vector<16xi32>], vector<16xf32>,
      %gather3A_40 = tpu.vector_load_idx %arg10[%add3A_24, %broadcast_in_dim3A_38] : memref<512x32xf32, #tpu.memory_space<vmem>>[vector<16xi32>, vector<16xi32>], vector<16xf32>,
      %mul3A_41 = arith.mulf %gather3A_39, %gather3A_40 : vector<16xf32>
      %add3A_42 = arith.addf %add3A_36, %mul3A_41 : vector<16xf32>
      %broadcast_in_dim3A_43 = arith.constant 3 : i32
      %broadcast_in_dim3A_44 = vector.broadcast %broadcast_in_dim3A_43 : i32 to vector<16xi32>
      %gather3A_45 = tpu.vector_load_idx %arg9[%add3A_24, %broadcast_in_dim3A_44] : memref<512x32xf32, #tpu.memory_space<vmem>>[vector<16xi32>, vector<16xi32>], vector<16xf32>,
      %gather3A_46 = tpu.vector_load_idx %arg10[%add3A_24, %broadcast_in_dim3A_44] : memref<512x32xf32, #tpu.memory_space<vmem>>[vector<16xi32>, vector<16xi32>], vector<16xf32>,
      %mul3A_47 = arith.mulf %gather3A_45, %gather3A_46 : vector<16xf32>
      %add3A_48 = arith.addf %add3A_42, %mul3A_47 : vector<16xf32>
      %broadcast_in_dim3A_49 = arith.constant 4 : i32
      %broadcast_in_dim3A_50 = vector.broadcast %broadcast_in_dim3A_49 : i32 to vector<16xi32>
      %gather3A_51 = tpu.vector_load_idx %arg9[%add3A_24, %broadcast_in_dim3A_50] : memref<512x32xf32, #tpu.memory_space<vmem>>[vector<16xi32>, vector<16xi32>], vector<16xf32>,
      %gather3A_52 = tpu.vector_load_idx %arg10[%add3A_24, %broadcast_in_dim3A_50] : memref<512x32xf32, #tpu.memory_space<vmem>>[vector<16xi32>, vector<16xi32>], vector<16xf32>,
      %mul3A_53 = arith.mulf %gather3A_51, %gather3A_52 : vector<16xf32>
      %add3A_54 = arith.addf %add3A_48, %mul3A_53 : vector<16xf32>
      %broadcast_in_dim3A_55 = arith.constant 5 : i32
      %broadcast_in_dim3A_56 = vector.broadcast %broadcast_in_dim3A_55 : i32 to vector<16xi32>
      %gather3A_57 = tpu.vector_load_idx %arg9[%add3A_24, %broadcast_in_dim3A_56] : memref<512x32xf32, #tpu.memory_space<vmem>>[vector<16xi32>, vector<16xi32>], vector<16xf32>,
      %gather3A_58 = tpu.vector_load_idx %arg10[%add3A_24, %broadcast_in_dim3A_56] : memref<512x32xf32, #tpu.memory_space<vmem>>[vector<16xi32>, vector<16xi32>], vector<16xf32>,
      %mul3A_59 = arith.mulf %gather3A_57, %gather3A_58 : vector<16xf32>
      %add3A_60 = arith.addf %add3A_54, %mul3A_59 : vector<16xf32>
      %broadcast_in_dim3A_61 = arith.constant 6 : i32
      %broadcast_in_dim3A_62 = vector.broadcast %broadcast_in_dim3A_61 : i32 to vector<16xi32>
      %gather3A_63 = tpu.vector_load_idx %arg9[%add3A_24, %broadcast_in_dim3A_62] : memref<512x32xf32, #tpu.memory_space<vmem>>[vector<16xi32>, vector<16xi32>], vector<16xf32>,
      %gather3A_64 = tpu.vector_load_idx %arg10[%add3A_24, %broadcast_in_dim3A_62] : memref<512x32xf32, #tpu.memory_space<vmem>>[vector<16xi32>, vector<16xi32>], vector<16xf32>,
      %mul3A_65 = arith.mulf %gather3A_63, %gather3A_64 : vector<16xf32>
      %add3A_66 = arith.addf %add3A_60, %mul3A_65 : vector<16xf32>
      %broadcast_in_dim3A_67 = arith.constant 7 : i32
      %broadcast_in_dim3A_68 = vector.broadcast %broadcast_in_dim3A_67 : i32 to vector<16xi32>
      %gather3A_69 = tpu.vector_load_idx %arg9[%add3A_24, %broadcast_in_dim3A_68] : memref<512x32xf32, #tpu.memory_space<vmem>>[vector<16xi32>, vector<16xi32>], vector<16xf32>,
      %gather3A_70 = tpu.vector_load_idx %arg10[%add3A_24, %broadcast_in_dim3A_68] : memref<512x32xf32, #tpu.memory_space<vmem>>[vector<16xi32>, vector<16xi32>], vector<16xf32>,
      %mul3A_71 = arith.mulf %gather3A_69, %gather3A_70 : vector<16xf32>
      %add3A_72 = arith.addf %add3A_66, %mul3A_71 : vector<16xf32>
      %broadcast_in_dim3A_73 = arith.constant 8 : i32
      %broadcast_in_dim3A_74 = vector.broadcast %broadcast_in_dim3A_73 : i32 to vector<16xi32>
      %gather3A_75 = tpu.vector_load_idx %arg9[%add3A_24, %broadcast_in_dim3A_74] : memref<512x32xf32, #tpu.memory_space<vmem>>[vector<16xi32>, vector<16xi32>], vector<16xf32>,
      %gather3A_76 = tpu.vector_load_idx %arg10[%add3A_24, %broadcast_in_dim3A_74] : memref<512x32xf32, #tpu.memory_space<vmem>>[vector<16xi32>, vector<16xi32>], vector<16xf32>,
      %mul3A_77 = arith.mulf %gather3A_75, %gather3A_76 : vector<16xf32>
      %add3A_78 = arith.addf %add3A_72, %mul3A_77 : vector<16xf32>
      %broadcast_in_dim3A_79 = arith.constant 9 : i32
      %broadcast_in_dim3A_80 = vector.broadcast %broadcast_in_dim3A_79 : i32 to vector<16xi32>
      %gather3A_81 = tpu.vector_load_idx %arg9[%add3A_24, %broadcast_in_dim3A_80] : memref<512x32xf32, #tpu.memory_space<vmem>>[vector<16xi32>, vector<16xi32>], vector<16xf32>,
      %gather3A_82 = tpu.vector_load_idx %arg10[%add3A_24, %broadcast_in_dim3A_80] : memref<512x32xf32, #tpu.memory_space<vmem>>[vector<16xi32>, vector<16xi32>], vector<16xf32>,
      %mul3A_83 = arith.mulf %gather3A_81, %gather3A_82 : vector<16xf32>
      %add3A_84 = arith.addf %add3A_78, %mul3A_83 : vector<16xf32>
      %broadcast_in_dim3A_85 = arith.constant 10 : i32
      %broadcast_in_dim3A_86 = vector.broadcast %broadcast_in_dim3A_85 : i32 to vector<16xi32>
      %gather3A_87 = tpu.vector_load_idx %arg9[%add3A_24, %broadcast_in_dim3A_86] : memref<512x32xf32, #tpu.memory_space<vmem>>[vector<16xi32>, vector<16xi32>], vector<16xf32>,
      %gather3A_88 = tpu.vector_load_idx %arg10[%add3A_24, %broadcast_in_dim3A_86] : memref<512x32xf32, #tpu.memory_space<vmem>>[vector<16xi32>, vector<16xi32>], vector<16xf32>,
      %mul3A_89 = arith.mulf %gather3A_87, %gather3A_88 : vector<16xf32>
      %add3A_90 = arith.addf %add3A_84, %mul3A_89 : vector<16xf32>
      %broadcast_in_dim3A_91 = arith.constant 11 : i32
      %broadcast_in_dim3A_92 = vector.broadcast %broadcast_in_dim3A_91 : i32 to vector<16xi32>
      %gather3A_93 = tpu.vector_load_idx %arg9[%add3A_24, %broadcast_in_dim3A_92] : memref<512x32xf32, #tpu.memory_space<vmem>>[vector<16xi32>, vector<16xi32>], vector<16xf32>,
      %gather3A_94 = tpu.vector_load_idx %arg10[%add3A_24, %broadcast_in_dim3A_92] : memref<512x32xf32, #tpu.memory_space<vmem>>[vector<16xi32>, vector<16xi32>], vector<16xf32>,
      %mul3A_95 = arith.mulf %gather3A_93, %gather3A_94 : vector<16xf32>
      %add3A_96 = arith.addf %add3A_90, %mul3A_95 : vector<16xf32>
      %broadcast_in_dim3A_97 = arith.constant 12 : i32
      %broadcast_in_dim3A_98 = vector.broadcast %broadcast_in_dim3A_97 : i32 to vector<16xi32>
      %gather3A_99 = tpu.vector_load_idx %arg9[%add3A_24, %broadcast_in_dim3A_98] : memref<512x32xf32, #tpu.memory_space<vmem>>[vector<16xi32>, vector<16xi32>], vector<16xf32>,
      %gather3A_100 = tpu.vector_load_idx %arg10[%add3A_24, %broadcast_in_dim3A_98] : memref<512x32xf32, #tpu.memory_space<vmem>>[vector<16xi32>, vector<16xi32>], vector<16xf32>,
      %mul3A_101 = arith.mulf %gather3A_99, %gather3A_100 : vector<16xf32>
      %add3A_102 = arith.addf %add3A_96, %mul3A_101 : vector<16xf32>
      %broadcast_in_dim3A_103 = arith.constant 13 : i32
      %broadcast_in_dim3A_104 = vector.broadcast %broadcast_in_dim3A_103 : i32 to vector<16xi32>
      %gather3A_105 = tpu.vector_load_idx %arg9[%add3A_24, %broadcast_in_dim3A_104] : memref<512x32xf32, #tpu.memory_space<vmem>>[vector<16xi32>, vector<16xi32>], vector<16xf32>,
      %gather3A_106 = tpu.vector_load_idx %arg10[%add3A_24, %broadcast_in_dim3A_104] : memref<512x32xf32, #tpu.memory_space<vmem>>[vector<16xi32>, vector<16xi32>], vector<16xf32>,
      %mul3A_107 = arith.mulf %gather3A_105, %gather3A_106 : vector<16xf32>
      %add3A_108 = arith.addf %add3A_102, %mul3A_107 : vector<16xf32>
      %broadcast_in_dim3A_109 = arith.constant 14 : i32
      %broadcast_in_dim3A_110 = vector.broadcast %broadcast_in_dim3A_109 : i32 to vector<16xi32>
      %gather3A_111 = tpu.vector_load_idx %arg9[%add3A_24, %broadcast_in_dim3A_110] : memref<512x32xf32, #tpu.memory_space<vmem>>[vector<16xi32>, vector<16xi32>], vector<16xf32>,
      %gather3A_112 = tpu.vector_load_idx %arg10[%add3A_24, %broadcast_in_dim3A_110] : memref<512x32xf32, #tpu.memory_space<vmem>>[vector<16xi32>, vector<16xi32>], vector<16xf32>,
      %mul3A_113 = arith.mulf %gather3A_111, %gather3A_112 : vector<16xf32>
      %add3A_114 = arith.addf %add3A_108, %mul3A_113 : vector<16xf32>
      %broadcast_in_dim3A_115 = arith.constant 15 : i32
      %broadcast_in_dim3A_116 = vector.broadcast %broadcast_in_dim3A_115 : i32 to vector<16xi32>
      %gather3A_117 = tpu.vector_load_idx %arg9[%add3A_24, %broadcast_in_dim3A_116] : memref<512x32xf32, #tpu.memory_space<vmem>>[vector<16xi32>, vector<16xi32>], vector<16xf32>,
      %gather3A_118 = tpu.vector_load_idx %arg10[%add3A_24, %broadcast_in_dim3A_116] : memref<512x32xf32, #tpu.memory_space<vmem>>[vector<16xi32>, vector<16xi32>], vector<16xf32>,
      %mul3A_119 = arith.mulf %gather3A_117, %gather3A_118 : vector<16xf32>
      %add3A_120 = arith.addf %add3A_114, %mul3A_119 : vector<16xf32>
      %broadcast_in_dim3A_121 = arith.constant 16 : i32
      %broadcast_in_dim3A_122 = vector.broadcast %broadcast_in_dim3A_121 : i32 to vector<16xi32>
      %gather3A_123 = tpu.vector_load_idx %arg9[%add3A_24, %broadcast_in_dim3A_122] : memref<512x32xf32, #tpu.memory_space<vmem>>[vector<16xi32>, vector<16xi32>], vector<16xf32>,
      %gather3A_124 = tpu.vector_load_idx %arg10[%add3A_24, %broadcast_in_dim3A_122] : memref<512x32xf32, #tpu.memory_space<vmem>>[vector<16xi32>, vector<16xi32>], vector<16xf32>,
      %mul3A_125 = arith.mulf %gather3A_123, %gather3A_124 : vector<16xf32>
      %add3A_126 = arith.addf %add3A_120, %mul3A_125 : vector<16xf32>
      %broadcast_in_dim3A_127 = arith.constant 17 : i32
      %broadcast_in_dim3A_128 = vector.broadcast %broadcast_in_dim3A_127 : i32 to vector<16xi32>
      %gather3A_129 = tpu.vector_load_idx %arg9[%add3A_24, %broadcast_in_dim3A_128] : memref<512x32xf32, #tpu.memory_space<vmem>>[vector<16xi32>, vector<16xi32>], vector<16xf32>,
      %gather3A_130 = tpu.vector_load_idx %arg10[%add3A_24, %broadcast_in_dim3A_128] : memref<512x32xf32, #tpu.memory_space<vmem>>[vector<16xi32>, vector<16xi32>], vector<16xf32>,
      %mul3A_131 = arith.mulf %gather3A_129, %gather3A_130 : vector<16xf32>
      %add3A_132 = arith.addf %add3A_126, %mul3A_131 : vector<16xf32>
      %broadcast_in_dim3A_133 = arith.constant 18 : i32
      %broadcast_in_dim3A_134 = vector.broadcast %broadcast_in_dim3A_133 : i32 to vector<16xi32>
      %gather3A_135 = tpu.vector_load_idx %arg9[%add3A_24, %broadcast_in_dim3A_134] : memref<512x32xf32, #tpu.memory_space<vmem>>[vector<16xi32>, vector<16xi32>], vector<16xf32>,
      %gather3A_136 = tpu.vector_load_idx %arg10[%add3A_24, %broadcast_in_dim3A_134] : memref<512x32xf32, #tpu.memory_space<vmem>>[vector<16xi32>, vector<16xi32>], vector<16xf32>,
      %mul3A_137 = arith.mulf %gather3A_135, %gather3A_136 : vector<16xf32>
      %add3A_138 = arith.addf %add3A_132, %mul3A_137 : vector<16xf32>
      %broadcast_in_dim3A_139 = arith.constant 19 : i32
      %broadcast_in_dim3A_140 = vector.broadcast %broadcast_in_dim3A_139 : i32 to vector<16xi32>
      %gather3A_141 = tpu.vector_load_idx %arg9[%add3A_24, %broadcast_in_dim3A_140] : memref<512x32xf32, #tpu.memory_space<vmem>>[vector<16xi32>, vector<16xi32>], vector<16xf32>,
      %gather3A_142 = tpu.vector_load_idx %arg10[%add3A_24, %broadcast_in_dim3A_140] : memref<512x32xf32, #tpu.memory_space<vmem>>[vector<16xi32>, vector<16xi32>], vector<16xf32>,
      %mul3A_143 = arith.mulf %gather3A_141, %gather3A_142 : vector<16xf32>
      %add3A_144 = arith.addf %add3A_138, %mul3A_143 : vector<16xf32>
      %broadcast_in_dim3A_145 = arith.constant 20 : i32
      %broadcast_in_dim3A_146 = vector.broadcast %broadcast_in_dim3A_145 : i32 to vector<16xi32>
      %gather3A_147 = tpu.vector_load_idx %arg9[%add3A_24, %broadcast_in_dim3A_146] : memref<512x32xf32, #tpu.memory_space<vmem>>[vector<16xi32>, vector<16xi32>], vector<16xf32>,
      %gather3A_148 = tpu.vector_load_idx %arg10[%add3A_24, %broadcast_in_dim3A_146] : memref<512x32xf32, #tpu.memory_space<vmem>>[vector<16xi32>, vector<16xi32>], vector<16xf32>,
      %mul3A_149 = arith.mulf %gather3A_147, %gather3A_148 : vector<16xf32>
      %add3A_150 = arith.addf %add3A_144, %mul3A_149 : vector<16xf32>
      %broadcast_in_dim3A_151 = arith.constant 21 : i32
      %broadcast_in_dim3A_152 = vector.broadcast %broadcast_in_dim3A_151 : i32 to vector<16xi32>
      %gather3A_153 = tpu.vector_load_idx %arg9[%add3A_24, %broadcast_in_dim3A_152] : memref<512x32xf32, #tpu.memory_space<vmem>>[vector<16xi32>, vector<16xi32>], vector<16xf32>,
      %gather3A_154 = tpu.vector_load_idx %arg10[%add3A_24, %broadcast_in_dim3A_152] : memref<512x32xf32, #tpu.memory_space<vmem>>[vector<16xi32>, vector<16xi32>], vector<16xf32>,
      %mul3A_155 = arith.mulf %gather3A_153, %gather3A_154 : vector<16xf32>
      %add3A_156 = arith.addf %add3A_150, %mul3A_155 : vector<16xf32>
      %broadcast_in_dim3A_157 = arith.constant 22 : i32
      %broadcast_in_dim3A_158 = vector.broadcast %broadcast_in_dim3A_157 : i32 to vector<16xi32>
      %gather3A_159 = tpu.vector_load_idx %arg9[%add3A_24, %broadcast_in_dim3A_158] : memref<512x32xf32, #tpu.memory_space<vmem>>[vector<16xi32>, vector<16xi32>], vector<16xf32>,
      %gather3A_160 = tpu.vector_load_idx %arg10[%add3A_24, %broadcast_in_dim3A_158] : memref<512x32xf32, #tpu.memory_space<vmem>>[vector<16xi32>, vector<16xi32>], vector<16xf32>,
      %mul3A_161 = arith.mulf %gather3A_159, %gather3A_160 : vector<16xf32>
      %add3A_162 = arith.addf %add3A_156, %mul3A_161 : vector<16xf32>
      %broadcast_in_dim3A_163 = arith.constant 23 : i32
      %broadcast_in_dim3A_164 = vector.broadcast %broadcast_in_dim3A_163 : i32 to vector<16xi32>
      %gather3A_165 = tpu.vector_load_idx %arg9[%add3A_24, %broadcast_in_dim3A_164] : memref<512x32xf32, #tpu.memory_space<vmem>>[vector<16xi32>, vector<16xi32>], vector<16xf32>,
      %gather3A_166 = tpu.vector_load_idx %arg10[%add3A_24, %broadcast_in_dim3A_164] : memref<512x32xf32, #tpu.memory_space<vmem>>[vector<16xi32>, vector<16xi32>], vector<16xf32>,
      %mul3A_167 = arith.mulf %gather3A_165, %gather3A_166 : vector<16xf32>
      %add3A_168 = arith.addf %add3A_162, %mul3A_167 : vector<16xf32>
      %broadcast_in_dim3A_169 = arith.constant 24 : i32
      %broadcast_in_dim3A_170 = vector.broadcast %broadcast_in_dim3A_169 : i32 to vector<16xi32>
      %gather3A_171 = tpu.vector_load_idx %arg9[%add3A_24, %broadcast_in_dim3A_170] : memref<512x32xf32, #tpu.memory_space<vmem>>[vector<16xi32>, vector<16xi32>], vector<16xf32>,
      %gather3A_172 = tpu.vector_load_idx %arg10[%add3A_24, %broadcast_in_dim3A_170] : memref<512x32xf32, #tpu.memory_space<vmem>>[vector<16xi32>, vector<16xi32>], vector<16xf32>,
      %mul3A_173 = arith.mulf %gather3A_171, %gather3A_172 : vector<16xf32>
      %add3A_174 = arith.addf %add3A_168, %mul3A_173 : vector<16xf32>
      %broadcast_in_dim3A_175 = arith.constant 25 : i32
      %broadcast_in_dim3A_176 = vector.broadcast %broadcast_in_dim3A_175 : i32 to vector<16xi32>
      %gather3A_177 = tpu.vector_load_idx %arg9[%add3A_24, %broadcast_in_dim3A_176] : memref<512x32xf32, #tpu.memory_space<vmem>>[vector<16xi32>, vector<16xi32>], vector<16xf32>,
      %gather3A_178 = tpu.vector_load_idx %arg10[%add3A_24, %broadcast_in_dim3A_176] : memref<512x32xf32, #tpu.memory_space<vmem>>[vector<16xi32>, vector<16xi32>], vector<16xf32>,
      %mul3A_179 = arith.mulf %gather3A_177, %gather3A_178 : vector<16xf32>
      %add3A_180 = arith.addf %add3A_174, %mul3A_179 : vector<16xf32>
      %broadcast_in_dim3A_181 = arith.constant 26 : i32
      %broadcast_in_dim3A_182 = vector.broadcast %broadcast_in_dim3A_181 : i32 to vector<16xi32>
      %gather3A_183 = tpu.vector_load_idx %arg9[%add3A_24, %broadcast_in_dim3A_182] : memref<512x32xf32, #tpu.memory_space<vmem>>[vector<16xi32>, vector<16xi32>], vector<16xf32>,
      %gather3A_184 = tpu.vector_load_idx %arg10[%add3A_24, %broadcast_in_dim3A_182] : memref<512x32xf32, #tpu.memory_space<vmem>>[vector<16xi32>, vector<16xi32>], vector<16xf32>,
      %mul3A_185 = arith.mulf %gather3A_183, %gather3A_184 : vector<16xf32>
      %add3A_186 = arith.addf %add3A_180, %mul3A_185 : vector<16xf32>
      %broadcast_in_dim3A_187 = arith.constant 27 : i32
      %broadcast_in_dim3A_188 = vector.broadcast %broadcast_in_dim3A_187 : i32 to vector<16xi32>
      %gather3A_189 = tpu.vector_load_idx %arg9[%add3A_24, %broadcast_in_dim3A_188] : memref<512x32xf32, #tpu.memory_space<vmem>>[vector<16xi32>, vector<16xi32>], vector<16xf32>,
      %gather3A_190 = tpu.vector_load_idx %arg10[%add3A_24, %broadcast_in_dim3A_188] : memref<512x32xf32, #tpu.memory_space<vmem>>[vector<16xi32>, vector<16xi32>], vector<16xf32>,
      %mul3A_191 = arith.mulf %gather3A_189, %gather3A_190 : vector<16xf32>
      %add3A_192 = arith.addf %add3A_186, %mul3A_191 : vector<16xf32>
      %broadcast_in_dim3A_193 = arith.constant 28 : i32
      %broadcast_in_dim3A_194 = vector.broadcast %broadcast_in_dim3A_193 : i32 to vector<16xi32>
      %gather3A_195 = tpu.vector_load_idx %arg9[%add3A_24, %broadcast_in_dim3A_194] : memref<512x32xf32, #tpu.memory_space<vmem>>[vector<16xi32>, vector<16xi32>], vector<16xf32>,
      %gather3A_196 = tpu.vector_load_idx %arg10[%add3A_24, %broadcast_in_dim3A_194] : memref<512x32xf32, #tpu.memory_space<vmem>>[vector<16xi32>, vector<16xi32>], vector<16xf32>,
      %mul3A_197 = arith.mulf %gather3A_195, %gather3A_196 : vector<16xf32>
      %add3A_198 = arith.addf %add3A_192, %mul3A_197 : vector<16xf32>
      %broadcast_in_dim3A_199 = arith.constant 29 : i32
      %broadcast_in_dim3A_200 = vector.broadcast %broadcast_in_dim3A_199 : i32 to vector<16xi32>
      %gather3A_201 = tpu.vector_load_idx %arg9[%add3A_24, %broadcast_in_dim3A_200] : memref<512x32xf32, #tpu.memory_space<vmem>>[vector<16xi32>, vector<16xi32>], vector<16xf32>,
      %gather3A_202 = tpu.vector_load_idx %arg10[%add3A_24, %broadcast_in_dim3A_200] : memref<512x32xf32, #tpu.memory_space<vmem>>[vector<16xi32>, vector<16xi32>], vector<16xf32>,
      %mul3A_203 = arith.mulf %gather3A_201, %gather3A_202 : vector<16xf32>
      %add3A_204 = arith.addf %add3A_198, %mul3A_203 : vector<16xf32>
      %broadcast_in_dim3A_205 = arith.constant 30 : i32
      %broadcast_in_dim3A_206 = vector.broadcast %broadcast_in_dim3A_205 : i32 to vector<16xi32>
      %gather3A_207 = tpu.vector_load_idx %arg9[%add3A_24, %broadcast_in_dim3A_206] : memref<512x32xf32, #tpu.memory_space<vmem>>[vector<16xi32>, vector<16xi32>], vector<16xf32>,
      %gather3A_208 = tpu.vector_load_idx %arg10[%add3A_24, %broadcast_in_dim3A_206] : memref<512x32xf32, #tpu.memory_space<vmem>>[vector<16xi32>, vector<16xi32>], vector<16xf32>,
      %mul3A_209 = arith.mulf %gather3A_207, %gather3A_208 : vector<16xf32>
      %add3A_210 = arith.addf %add3A_204, %mul3A_209 : vector<16xf32>
      %broadcast_in_dim3A_211 = arith.constant 31 : i32
      %broadcast_in_dim3A_212 = vector.broadcast %broadcast_in_dim3A_211 : i32 to vector<16xi32>
      %gather3A_213 = tpu.vector_load_idx %arg9[%add3A_24, %broadcast_in_dim3A_212] : memref<512x32xf32, #tpu.memory_space<vmem>>[vector<16xi32>, vector<16xi32>], vector<16xf32>,
      %gather3A_214 = tpu.vector_load_idx %arg10[%add3A_24, %broadcast_in_dim3A_212] : memref<512x32xf32, #tpu.memory_space<vmem>>[vector<16xi32>, vector<16xi32>], vector<16xf32>,
      %mul3A_215 = arith.mulf %gather3A_213, %gather3A_214 : vector<16xf32>
      %add3A_216 = arith.addf %add3A_210, %mul3A_215 : vector<16xf32>
      %mul3A_217 = arith.constant 16 : i32
      %mul3A_218 = arith.muli %scan3A_19, %mul3A_217 : i32
      %swap3A = arith.index_cast %mul3A_218 : i32 to index
      %swap3A_219 = tpu.vector_load %arg11[%swap3A] {strides = array<i32>} : memref<512xf32, #tpu.memory_space<vmem>>, vector<16xf32>,
      tpu.vector_store %arg11[%swap3A], %add3A_216 {strides = array<i32>} : memref<512xf32, #tpu.memory_space<vmem>>, vector<16xf32>,
      %scan3A_220 = arith.constant 0 : i32
      scf.yield %scan3A_220 : i32
    }
    %scan3A_18 = arith.constant 32 : i32
    "tpu.region"() ({
      %run_scoped3A = tpu.sem_alloc : memref<!tpu.dma_semaphore, #tpu.memory_space<semaphore_mem>>
      %dma_start3A_19 = tpu.memref_slice %arg6[%mul3A_2] : memref<16384xf32, #tpu.memory_space<hbm>> -> memref<512xf32, #tpu.memory_space<hbm>>
      %dma_start3A_20 = tpu.memref_slice %arg6[%mul3A_2] : memref<16384xf32, #tpu.memory_space<hbm>> -> memref<512xf32, #tpu.memory_space<hbm>>
      tpu.enqueue_dma source(%arg11 : memref<512xf32, #tpu.memory_space<vmem>>) target(%dma_start3A_20 : memref<512xf32, #tpu.memory_space<hbm>>) target_semaphore(%run_scoped3A : memref<!tpu.dma_semaphore, #tpu.memory_space<semaphore_mem>>)
      %dma_wait3A_21 = tpu.memref_slice %arg6[%mul3A_2] : memref<16384xf32, #tpu.memory_space<hbm>> -> memref<512xf32, #tpu.memory_space<hbm>>
      %dma_wait3A_22 = tpu.memref_slice %arg6[%mul3A_2] : memref<16384xf32, #tpu.memory_space<hbm>> -> memref<512xf32, #tpu.memory_space<hbm>>
      tpu.wait_dma2 semaphore(%run_scoped3A : memref<!tpu.dma_semaphore, #tpu.memory_space<semaphore_mem>>) src(%arg11 : memref<512xf32, #tpu.memory_space<vmem>>) dst(%dma_wait3A_22 : memref<512xf32, #tpu.memory_space<hbm>>)
      tpu.yield
    }) : () -> ()
    return
  }
}

</mosaic_0001>

<sc_bundles>
// kernel: kernel.3.cloned.1.call-start
scs
__scs_entry_jumppad:
0x0: {  	(pc) =	sbr.rel $0x88, $3  }
0x1: {  	(tag) =	ssettag $0x0;
	lr =	simm.s32 $0x1  }
0x2: {  	[smem:$0x3F9E] =	sst lr;
	_ =	strace $0xD0000000  }
0x3: {  	_ = 	snop  }
0x4: {  	_ = 	snop  }
0x5: {  	_ = 	snop  }
0x6: {  	_ = 	snop  }
0x7: {  	_ = 	snop  }
__scs_overlays_trampoline_lowered:
0x8: {  	[smem:$0x3FAD] =	sst s0  }
0x9: {  	[smem:$0x3FAE] =	sst s1  }
0xa: {  	[smem:$0x3FAF] =	sst s2  }
0xb: {  	[smem:$0x3FB0] =	sst s3  }
0xc: {  	[smem:$0x3FB1] =	sst s4  }
0xd: {  	[smem:$0x3FB2] =	sst s5  }
0xe: {  	[smem:$0x3FB3] =	sst s6  }
0xf: {  	[smem:$0x3FB4] =	sst s7  }
0x10: {  	[smem:$0x3FB5] =	sst s8  }
0x11: {  	[smem:$0x3FB6] =	sst s9;
	s0 =	simm.s32 @!p0 $0x0  }
0x12: {  	s1 =	sld [smem:$0x3F9C];
	s0 =	simm.s32 @p0 $0x1  }
0x13: {  	[smem:$0x3FB7] =	sst s0;
	s0 =	simm.s32 @!p1 $0x0  }
0x14: {  	s2 =	sld [smem:$0x3F9B];
	s0 =	simm.s32 @p1 $0x1  }
0x15: {  	[smem:$0x3FB8] =	sst s0;
	s0 =	simm.s32 @!p2 $0x0  }
0x16: {  	s3 =	sld [smem:$0x3FDB];
	s0 =	simm.s32 @p2 $0x1  }
0x17: {  	s4 =	simm.s32 $0x1BF5;
	[smem:$0x3FBA] =	sst s0  }
0x18: {  	s0 =	sld [smem:$0x3F9D];
	_ =	swait.ge [sflag:s4], $0x0  }
0x19: {  	s7 =	sld [smem:$0x3F9E]  }
0x1a: {  	s8 =	sadd.s32 $0xFFFFE003, lr  }
0x1b: {  	s9 =	sadd.s32 $0xFFFFFEF7, lr;
	s5 =	simm.s32 $0xFFFFFFFF;
	p2 =	slt.u32 s8, $0xFFFFF086  }
0x1c: {  	p1 =	slt.u32 s9, $0xF7A;
	s5 =	simm.s32 @!p2 $0x0  }
0x1d: {  	s5 =	simm.s32 @p1 $0x1;
	p0 =	seq.s32 s7, s2  }
0x1e: {  	s7 =	smul.u32 @!p0 $0xF7A, s2;
	p2 =	seq.s32 @!p0 s5, $0x0  }
0x1f: {  	s9 =	smul.u32 $0xF7A, s1;
	s8 =	simm.s32 @!p0 $0x1BF5;
	p2 =	por !p2, p0  }
0x20: {  	[sflag:s8] =	ssyncset.s32 @!p0 $0xFFFFF086;
	s6 =	sadd.s32 @!p0 s3, s7;
	s7 =	simm.s32 @!p0 $0x108  }
0x21: {  	s3 =	sadd.s32 s3, s9;
	s6 =	sadd.s32 @!p0 $0x88, s6;
	s7 =	simm.s32 @p2 $0x1082  }
0x22: {  	[simem:s7], [sflag:s8] =	dma.local @!p0 [hbm:s6], $0xF7A  }
0x23: {  	s9 =	sor.u32 $0xD0000000, s2;
	s6 =	simm.s32 $0x108;
	_ =	swait.ge @!p0 [sflag:s8], $0x0  }
0x24: {  	s3 =	sadd.s32 $0x88, s3;
	s6 =	simm.s32 @!p1 $0x1082;
	[sflag:s4] =	ssyncset.s32 $0xFFFFF086  }
0x25: {  	[simem:s6], [sflag:s4] =	dma.local [hbm:s3], $0xF7A  }
0x26: {  	[smem:$0x3F9E] =	sst s1;
	(tag) =	ssettag s2;
	_ =	strace s9  }
0x27: {  	s1 =	sld [smem:$0x3FAE]  }
0x28: {  	s2 =	sld [smem:$0x3FAF]  }
0x29: {  	s4 =	sld [smem:$0x3FB1]  }
0x2a: {  	p0 =	seq.s32 s5, $0x0;
	s5 =	sld [smem:$0x3FB2]  }
0x2b: {  	s6 =	sld [smem:$0x3FB3]  }
0x2c: {  	s7 =	sld [smem:$0x3FB4]  }
0x2d: {  	s3 =	simm.s32 $0x108;
	s8 =	sld [smem:$0x3FB5]  }
0x2e: {  	s3 =	simm.s32 @!p0 $0x1082;
	s9 =	sld [smem:$0x3FB6]  }
0x2f: {  	lr =	sadd.s32 s0, s3;
	s0 =	sld [smem:$0x3FAD]  }
0x30: {  	s3 =	sld [smem:$0x3FB0]  }
0x31: {  	[smem:$0x3FB9] =	sst s10  }
0x32: {  	s10 =	sld [smem:$0x3FB7];
	_ =	sdelay $0x3  }
0x33: {  	p0 =	seq.s32 s10, $0x1;
	s10 =	sld [smem:$0x3FB9];
	_ =	sdelay $0x3  }
0x34: {  	[smem:$0x3FB9] =	sst s10  }
0x35: {  	s10 =	sld [smem:$0x3FB8];
	_ =	sdelay $0x3  }
0x36: {  	p1 =	seq.s32 s10, $0x1;
	s10 =	sld [smem:$0x3FB9];
	_ =	sdelay $0x3  }
0x37: {  	[smem:$0x3FB9] =	sst s10  }
0x38: {  	s10 =	sld [smem:$0x3FBA]  }
0x39: {  	_ = 	snop;
	(pc) =	sbr.ind lr, $3  }
0x3a: {  	_ = 	snop  }
0x3b: {  	_ = 	snop  }
0x3c: {  	p2 =	seq.s32 s10, $0x1;
	s10 =	sld [smem:$0x3FB9]  }
0x3d: {  	_ =	shalt  }
0x3e: {  	_ =	shalt  }
0x3f: {  	_ =	shalt  }
0x40: {  	_ =	shalt  }
0x41: {  	_ =	shalt  }
0x42: {  	_ =	shalt  }
0x43: {  	_ =	shalt  }
0x44: {  	_ =	shalt  }
0x45: {  	_ =	shalt  }
0x46: {  	_ =	shalt  }
0x47: {  	_ =	shalt  }
0x48: {  	_ =	shalt  }
0x49: {  	_ =	shalt  }
0x4a: {  	_ =	shalt  }
0x4b: {  	_ =	shalt  }
0x4c: {  	_ =	shalt  }
0x4d: {  	_ =	shalt  }
0x4e: {  	_ =	shalt  }
0x4f: {  	_ =	shalt  }
0x50: {  	_ =	shalt  }
0x51: {  	_ =	shalt  }
0x52: {  	_ =	shalt  }
0x53: {  	_ =	shalt  }
0x54: {  	_ =	shalt  }
0x55: {  	_ =	shalt  }
0x56: {  	_ =	shalt  }
0x57: {  	_ =	shalt  }
0x58: {  	_ =	shalt  }
0x59: {  	_ =	shalt  }
0x5a: {  	_ =	shalt  }
0x5b: {  	_ =	shalt  }
0x5c: {  	_ =	shalt  }
0x5d: {  	_ =	shalt  }
0x5e: {  	_ =	shalt  }
0x5f: {  	_ =	shalt  }
0x60: {  	_ =	shalt  }
0x61: {  	_ =	shalt  }
0x62: {  	_ =	shalt  }
0x63: {  	_ =	shalt  }
0x64: {  	_ =	shalt  }
0x65: {  	_ =	shalt  }
0x66: {  	_ =	shalt  }
0x67: {  	_ =	shalt  }
0x68: {  	_ =	shalt  }
0x69: {  	_ =	shalt  }
0x6a: {  	_ =	shalt  }
0x6b: {  	_ =	shalt  }
0x6c: {  	_ =	shalt  }
0x6d: {  	_ =	shalt  }
0x6e: {  	_ =	shalt  }
0x6f: {  	_ =	shalt  }
0x70: {  	_ =	shalt  }
0x71: {  	_ =	shalt  }
0x72: {  	_ =	shalt  }
0x73: {  	_ =	shalt  }
0x74: {  	_ =	shalt  }
0x75: {  	_ =	shalt  }
0x76: {  	_ =	shalt  }
0x77: {  	_ =	shalt  }
0x78: {  	_ =	shalt  }
0x79: {  	_ =	shalt  }
0x7a: {  	_ =	shalt  }
0x7b: {  	_ =	shalt  }
0x7c: {  	_ =	shalt  }
0x7d: {  	_ =	shalt  }
0x7e: {  	_ =	shalt  }
0x7f: {  	_ =	shalt  }
0x80: {  	_ =	shalt  }
0x81: {  	_ =	shalt  }
0x82: {  	_ =	shalt  }
0x83: {  	_ =	shalt  }
0x84: {  	_ =	shalt  }
0x85: {  	_ =	shalt  }
0x86: {  	_ =	shalt  }
0x87: {  	_ =	shalt  }
.Lfunc_end0:
.L_simem_size_0:
called_computation_lowered:
.L_overlay_start_0:
0x88: {  	s2 =	sld [smem:$0x3FD9]  }
0x89: {  	s3 =	sld [smem:$0x3FFE];
	_ =	sdelay $0x1  }
0x8a: {  	s1 =	srdreg.scid  }
0x8b: {  	s0 =	sand.u32 $0x1, s1  }
0x8c: {  	s17 =	sshll.u32 s0, $0xA;
	s2 =	sadd.s32 s3, s2  }
0x8d: {  	s2 =	sadd.s32 s2, s17  }
0x8e: {  	[smem:$0x3FC5] =	sst s2  }
0x8f: {  	_ = 	snop  }
0x90: {  	s2 =	sld [smem:$0x3FD0];
	(tm) =	ssettm $0x1  }
0x91: {  	s18 =	sld [smem:$0x3FFB];
	_ =	sdelay $0x3  }
0x92: {  	_ =	strace s18  }
0x93: {  	s3 =	sld [smem:$0x3FFC];
	_ =	sdelay $0x3  }
0x94: {  	_ =	strace s3  }
0x95: {  	s3 =	sld [smem:$0x3FFD];
	_ =	sdelay $0x3  }
0x96: {  	_ =	strace s3  }
0x97: {  	_ =	strace $0x8FFFFFFF  }
0x98: {  	s19 =	sld [smem:$0x3FDB];
	_ =	sdelay $0x1  }
0x99: {  	s4 =	simm.s32 $_scs_section_size  }
0x9a: {  	s5 =	simm.s32 $_size__tile_overlayer_lowered;
	s6 =	simm.s32 $_tile_overlayer_lowered  }
0x9b: {  	s22 =	simm.s32 $0x1BFF;
	s21 =	sshll.u32 s6, $0x1;
	s3 =	sadd.s32 s4, s19  }
0x9c: {  	s7 =	simm.s32 $0x0;
	s20 =	sshll.u32 s5, $0x1;
	s5 =	sadd.s32 s21, s3  }
0x9d: {  	[timem:s7], [sflag:s22] =	dma.local [hbm:s5], s20  }
0x9e: {  	_ =	swait.ge [sflag:s22], s20  }
0x9f: {  	s4 =	ssub.s32 $0x0, s20;
	[sflag:s22] =	ssyncset.done $0x0  }
0xa0: {  	[sflag:s22] =	ssyncadd.s32 s4;
	_ =	sdelay $0x1  }
0xa1: {  	s23 =	simm.s32 $0x1B8B  }
0xa2: {  	_ =	swait.ge [sflag:s23], $0x1  }
0xa3: {  	[sflag:s23] =	ssyncset.done $0x0  }
0xa4: {  	s25 =	simm.s32 $0x1B8E;
	s24 =	sld [smem:$0x3FFE];
	[sflag:s23] =	ssyncadd.s32 $0xFFFFFFFF  }
0xa5: {  	s26 =	simm.s32 $execute0_lowered;
	[smem:$0x3FD2] =	sst s25  }
0xa6: {  	s5 =	sshll.u32 s26, $0x1;
	_ =	strace $0x80000046;
	[dreg:$0x1] =	wrdreg $0xFFFFFFFF  }
0xa7: {  	s28 =	simm.s32 $_size_execute0_lowered;
	s3 =	sadd.s32 s3, s5;
	[dreg:$0x0] =	wrdreg $0x0  }
0xa8: {  	s5 =	sshll.u32 s28, $0x1;
	[dreg:$0x2] =	wrdreg s3  }
0xa9: {  	[dreg:$0x3] =	wrdreg s5  }
0xaa: {  	[dreg:$0x4] =	wrdreg $0xC0  }
0xab: {  	_ =	task [dreg:s7], $0x5FFFF  }
0xac: {  	[dreg:$0x1] =	wrdreg $0xFFFFFFFF  }
0xad: {  	[dreg:$0x0] =	wrdreg $0x60  }
0xae: {  	[dreg:$0x2] =	wrdreg s24  }
0xaf: {  	[dreg:$0x3] =	wrdreg s2  }
0xb0: {  	[dreg:$0x4] =	wrdreg $0x9  }
0xb1: {  	_ =	task.clear_ibuf [dreg:s7], $0x5FFFF;
	_ =	strace $0x90000046  }
0xb2: {  	s29 =	simm.s32 $0x9;
	_ =	strace $0x80000048  }
0xb3: {  	_ =	swait.ge [sflag:s29], $0x1  }
0xb4: {  	[sflag:s29] =	ssyncadd.s32 $0xFFFFFFFF  }
0xb5: {  	_ =	strace $0x90000048  }
0xb6: {  	_ =	sfence  }
0xb7: {  	s30 =	sld [smem:$0x0];
	_ =	sdelay $0x2  }
0xb8: {  	s31 =	sshll.u32 s1, $0xD;
	s1 =	sshrl.u32 s1, $0x2  }
0xb9: {  	s3 =	sand.u32 $0x4000, s31;
	s1 =	sadd.s32 s1, s30  }
0xba: {  	s0 =	sor.u32 s3, s0;
	s1 =	sshll.u32 s1, $0x11  }
0xbb: {  	s0 =	sor.u32 s1, s0  }
0xbc: {  	s0 =	sadd.s32 $0x8F2B, s0  }
0xbd: {  	[sflag:s0] =	ssyncadd.remote.s32 $0x1  }
0xbe: {  	_ =	sfence.sel $0xFFFF  }
0xbf: {  	[dreg:$0x0] =	wrdreg $0xFFFFFFFF;
	(pc) =	sbr.abs _section_cstart, $3  }
0xc0: {  	[dreg:$0x1] =	wrdreg $0xFFFFFFFF  }
0xc1: {  	_ =	task.clear_ibuf [dreg:s7], $0x2FFFF;
	_ =	strace $0x9FFFFFFF  }
0xc2: {  	(tm) =	ssettm $0x7FFFFFFF  }
0xc3: {  	_ =	shalt  }
tec
execute0_lowered:
.L_overlay_start_1:
0x0: {  	(tag) =	ssettag $0x1  }
0x1: {  	s4 =	rddreg [dreg:$0x0]  }
0x2: {  	s7 =	rddreg [dreg:$0x1];
	s2 =	srdreg.scid  }
0x3: {  	s0 =	rddreg [dreg:$0x2];
	s1 =	stileid.u32;
	s10 =	simm.s32 $0x200  }
0x4: {  	s11 =	simm.s32 $0x400;
	s12 =	simm.s32 $0x4400;
	s13 =	simm.s32 $0x1  }
0x5: {  	s14 =	simm.s32 $0x2;
	s15 =	simm.s32 $0x8400;
	s16 =	simm.s32 $0x0  }
0x6: {  	s3 =	sand.u32 $0x1, s2;
	s2 =	simm.s32 $0x0;
	s5 =	sshll.u32 s1, $0x7  }
0x7: {  	s6 =	sshll.u32 s3, $0x6;
	[smem:$0x7FF] =	sst s2;
	s31 =	ssub.s32 $0x2, s3  }
0x8: {  	s3 =	sadd.s32 $0xF43A00, s4;
	s8 =	sor.u32 s6, s5;
	_ =	strace $0x80000047  }
0x9: {  	v0 =	vlaneseq.u32;
	s9 =	sshrl.u32 s31, $0x1;
	s6 =	sadd.s32 s8, s4;
	s4 =	sadd.s32 $0x1314400, s4  }
0xa: {  	v0 =	vmul.u32 $0x20, v0;
	s9 =	ssub.s32 s31, s9;
	s7 =	sadd.s32 s7, s8;
	s5 =	sadd.s32 $0xE00, s6  }
0xb: {  	s6 =	sadd.s32 $0x600, s6;
	s8 =	smax.u32 s9, $0x1;
	s9 =	simm.s32 $0x3  }
.LBB2_1:
0xc: {  	[tilespmem:s2], [sflag:$0x3] =	stream.linear.gather [hbm4b:s5+s2], $0x200, $0x38;
	[tilespmem:$0x8600] =	vst v63  }
0xd: {  	_ =	swait.ge [sflag:s9], $0x200  }
0xe: {  	[sflag:s9] =	ssyncset.done $0x0  }
0xf: {  	[sflag:s9] =	ssyncadd.s32 $0xFFFFFE00  }
0x10: {  	[tilespmem:s10], [sflag:$0x3] =	stream.linear.gather [hbm4b:s6+s2], $0x200, $0x38;
	[tilespmem:$0x8600] =	vst v63  }
0x11: {  	_ =	swait.ge [sflag:s9], $0x200  }
0x12: {  	[sflag:s9] =	ssyncset.done $0x0  }
0x13: {  	[sflag:s9] =	ssyncadd.s32 $0xFFFFFE00  }
0x14: {  	[tilespmem:s11], [sflag:$0x1] =	stream.indirect.gather [hbm4b:s3+s10], $0x20, s2, s10, $0xb8;
	[tilespmem:$0x8600] =	vst v63  }
0x15: {  	_ = 	snop  }
0x16: {  	v1 =	vmov s2;
	[tilespmem:s12], [sflag:$0x2] =	stream.indirect.gather [hbm4b:s4+s10], $0x20, s10, s10, $0xb8;
	[tilespmem:$0x8600] =	vst v63  }
0x17: {  	v1 =	vshll.u32 v1, $0x5;
	_ =	swait.ge [sflag:s13], $0x4000  }
0x18: {  	v1 =	vor.u32 v0, v1;
	[sflag:s13] =	ssyncset.done $0x0  }
0x19: {  	[sflag:s13] =	ssyncadd.s32 $0xFFFFC000  }
0x1a: {  	v2 =	vor.u32 $0x1, v1;
	_ =	swait.ge [sflag:s14], $0x4000  }
0x1b: {  	[sflag:s14] =	ssyncset.done $0x0  }
0x1c: {  	v3 =	vor.u32 $0x2, v1;
	[sflag:s14] =	ssyncadd.s32 $0xFFFFC000  }
0x1d: {  	v4 =	vld.idx.msk [tilespmem:v1+s12+$0x0], $0xffff  }
0x1e: {  	v6 =	vor.u32 $0x3, v1;
	v5 =	vld.idx.msk [tilespmem:v1+s11+$0x0], $0xffff  }
0x1f: {  	v7 =	vld.idx.msk [tilespmem:v2+s11+$0x0], $0xffff  }
0x20: {  	v8 =	vor.u32 $0x4, v1;
	v2 =	vld.idx.msk [tilespmem:v2+s12+$0x0], $0xffff  }
0x21: {  	v9 =	vld.idx.msk [tilespmem:v3+s11+$0x0], $0xffff  }
0x22: {  	v10 =	vor.u32 $0x5, v1;
	v3 =	vld.idx.msk [tilespmem:v3+s12+$0x0], $0xffff  }
0x23: {  	v11 =	vld.idx.msk [tilespmem:v6+s11+$0x0], $0xffff;
	v4 =	vmul.f32 v4, v5  }
0x24: {  	v5 =	vld.idx.msk [tilespmem:v6+s12+$0x0], $0xffff;
	v6 =	vor.u32 $0x6, v1  }
0x25: {  	v12 =	vld.idx.msk [tilespmem:v8+s11+$0x0], $0xffff;
	v2 =	vmul.f32 v2, v7;
	v4 =	vadd.f32 $0.0e+00, v4  }
0x26: {  	v25 =	vor.u32 $0x7, v1;
	v7 =	vld.idx.msk [tilespmem:v8+s12+$0x0], $0xffff  }
0x27: {  	v13 =	vld.idx.msk [tilespmem:v10+s11+$0x0], $0xffff;
	v3 =	vmul.f32 v3, v9;
	v2 =	vadd.f32 v2, v4  }
0x28: {  	v26 =	vor.u32 $0x8, v1;
	v4 =	vld.idx.msk [tilespmem:v10+s12+$0x0], $0xffff  }
0x29: {  	v27 =	vld.idx.msk [tilespmem:v6+s11+$0x0], $0xffff;
	v2 =	vadd.f32 v3, v2;
	v3 =	vmul.f32 v5, v11  }
0x2a: {  	v5 =	vld.idx.msk [tilespmem:v6+s12+$0x0], $0xffff;
	v6 =	vor.u32 $0x9, v1  }
0x2b: {  	v28 =	vld.idx.msk [tilespmem:v25+s11+$0x0], $0xffff;
	v2 =	vadd.f32 v3, v2;
	v3 =	vmul.f32 v7, v12  }
0x2c: {  	v29 =	vor.u32 $0xA, v1;
	v7 =	vld.idx.msk [tilespmem:v25+s12+$0x0], $0xffff  }
0x2d: {  	v30 =	vld.idx.msk [tilespmem:v26+s11+$0x0], $0xffff;
	v2 =	vadd.f32 v3, v2;
	v3 =	vmul.f32 v4, v13  }
0x2e: {  	v31 =	vor.u32 $0xB, v1;
	v4 =	vld.idx.msk [tilespmem:v26+s12+$0x0], $0xffff  }
0x2f: {  	v32 =	vld.idx.msk [tilespmem:v6+s11+$0x0], $0xffff;
	v2 =	vadd.f32 v3, v2;
	v3 =	vmul.f32 v5, v27  }
0x30: {  	v5 =	vld.idx.msk [tilespmem:v6+s12+$0x0], $0xffff;
	v6 =	vor.u32 $0xC, v1  }
0x31: {  	v33 =	vld.idx.msk [tilespmem:v29+s11+$0x0], $0xffff;
	v2 =	vadd.f32 v3, v2;
	v3 =	vmul.f32 v7, v28  }
0x32: {  	v34 =	vor.u32 $0xD, v1;
	v7 =	vld.idx.msk [tilespmem:v29+s12+$0x0], $0xffff  }
0x33: {  	v35 =	vld.idx.msk [tilespmem:v31+s11+$0x0], $0xffff;
	v2 =	vadd.f32 v3, v2;
	v3 =	vmul.f32 v4, v30  }
0x34: {  	v36 =	vor.u32 $0xE, v1;
	v4 =	vld.idx.msk [tilespmem:v31+s12+$0x0], $0xffff  }
0x35: {  	v37 =	vld.idx.msk [tilespmem:v6+s11+$0x0], $0xffff;
	v2 =	vadd.f32 v3, v2;
	v3 =	vmul.f32 v5, v32  }
0x36: {  	v5 =	vld.idx.msk [tilespmem:v6+s12+$0x0], $0xffff;
	v6 =	vor.u32 $0xF, v1  }
0x37: {  	v38 =	vld.idx.msk [tilespmem:v34+s11+$0x0], $0xffff;
	v2 =	vadd.f32 v3, v2;
	v3 =	vmul.f32 v7, v33  }
0x38: {  	v39 =	vor.u32 $0x10, v1;
	v7 =	vld.idx.msk [tilespmem:v34+s12+$0x0], $0xffff  }
0x39: {  	v40 =	vld.idx.msk [tilespmem:v36+s11+$0x0], $0xffff;
	v2 =	vadd.f32 v3, v2;
	v3 =	vmul.f32 v4, v35  }
0x3a: {  	v41 =	vor.u32 $0x11, v1;
	v4 =	vld.idx.msk [tilespmem:v36+s12+$0x0], $0xffff  }
0x3b: {  	v42 =	vld.idx.msk [tilespmem:v6+s11+$0x0], $0xffff;
	v2 =	vadd.f32 v3, v2;
	v3 =	vmul.f32 v5, v37  }
0x3c: {  	v5 =	vld.idx.msk [tilespmem:v6+s12+$0x0], $0xffff;
	v6 =	vor.u32 $0x12, v1  }
0x3d: {  	v43 =	vld.idx.msk [tilespmem:v39+s11+$0x0], $0xffff;
	v2 =	vadd.f32 v3, v2;
	v3 =	vmul.f32 v7, v38  }
0x3e: {  	v44 =	vor.u32 $0x13, v1;
	v7 =	vld.idx.msk [tilespmem:v39+s12+$0x0], $0xffff  }
0x3f: {  	v45 =	vld.idx.msk [tilespmem:v41+s11+$0x0], $0xffff;
	v2 =	vadd.f32 v3, v2;
	v3 =	vmul.f32 v4, v40  }
0x40: {  	v46 =	vor.u32 $0x14, v1;
	v4 =	vld.idx.msk [tilespmem:v41+s12+$0x0], $0xffff  }
0x41: {  	v47 =	vld.idx.msk [tilespmem:v6+s11+$0x0], $0xffff;
	v2 =	vadd.f32 v3, v2;
	v3 =	vmul.f32 v5, v42  }
0x42: {  	v5 =	vld.idx.msk [tilespmem:v6+s12+$0x0], $0xffff;
	v6 =	vor.u32 $0x15, v1  }
0x43: {  	v48 =	vld.idx.msk [tilespmem:v44+s11+$0x0], $0xffff;
	v2 =	vadd.f32 v3, v2;
	v3 =	vmul.f32 v7, v43  }
0x44: {  	v49 =	vor.u32 $0x16, v1;
	v7 =	vld.idx.msk [tilespmem:v44+s12+$0x0], $0xffff  }
0x45: {  	v50 =	vld.idx.msk [tilespmem:v46+s11+$0x0], $0xffff;
	v2 =	vadd.f32 v3, v2;
	v3 =	vmul.f32 v4, v45  }
0x46: {  	v51 =	vor.u32 $0x17, v1;
	v4 =	vld.idx.msk [tilespmem:v46+s12+$0x0], $0xffff  }
0x47: {  	v52 =	vld.idx.msk [tilespmem:v6+s11+$0x0], $0xffff;
	v2 =	vadd.f32 v3, v2;
	v3 =	vmul.f32 v5, v47  }
0x48: {  	v5 =	vld.idx.msk [tilespmem:v6+s12+$0x0], $0xffff;
	v6 =	vor.u32 $0x18, v1  }
0x49: {  	v53 =	vld.idx.msk [tilespmem:v49+s11+$0x0], $0xffff;
	v2 =	vadd.f32 v3, v2;
	v3 =	vmul.f32 v7, v48  }
0x4a: {  	v54 =	vor.u32 $0x19, v1;
	v7 =	vld.idx.msk [tilespmem:v49+s12+$0x0], $0xffff  }
0x4b: {  	v55 =	vld.idx.msk [tilespmem:v51+s11+$0x0], $0xffff;
	v2 =	vadd.f32 v3, v2;
	v3 =	vmul.f32 v4, v50  }
0x4c: {  	v56 =	vor.u32 $0x1A, v1;
	v4 =	vld.idx.msk [tilespmem:v51+s12+$0x0], $0xffff  }
0x4d: {  	v57 =	vld.idx.msk [tilespmem:v6+s11+$0x0], $0xffff;
	v2 =	vadd.f32 v3, v2;
	v3 =	vmul.f32 v5, v52  }
0x4e: {  	v5 =	vld.idx.msk [tilespmem:v6+s12+$0x0], $0xffff;
	v6 =	vor.u32 $0x1B, v1  }
0x4f: {  	v58 =	vld.idx.msk [tilespmem:v54+s11+$0x0], $0xffff;
	v2 =	vadd.f32 v3, v2;
	v3 =	vmul.f32 v7, v53  }
0x50: {  	v59 =	vor.u32 $0x1C, v1;
	v7 =	vld.idx.msk [tilespmem:v54+s12+$0x0], $0xffff  }
0x51: {  	v60 =	vld.idx.msk [tilespmem:v56+s11+$0x0], $0xffff;
	v2 =	vadd.f32 v3, v2;
	v3 =	vmul.f32 v4, v55  }
0x52: {  	v61 =	vor.u32 $0x1D, v1;
	v4 =	vld.idx.msk [tilespmem:v56+s12+$0x0], $0xffff  }
0x53: {  	v62 =	vld.idx.msk [tilespmem:v6+s11+$0x0], $0xffff;
	v2 =	vadd.f32 v3, v2;
	v3 =	vmul.f32 v5, v57  }
0x54: {  	v5 =	vld.idx.msk [tilespmem:v6+s12+$0x0], $0xffff;
	v6 =	vor.u32 $0x1E, v1  }
0x55: {  	v63 =	vld.idx.msk [tilespmem:v59+s11+$0x0], $0xffff;
	v2 =	vadd.f32 v3, v2;
	v3 =	vmul.f32 v7, v58  }
0x56: {  	v1 =	vor.u32 $0x1F, v1;
	v7 =	vld.idx.msk [tilespmem:v59+s12+$0x0], $0xffff  }
0x57: {  	v15 =	vld.idx.msk [tilespmem:v61+s11+$0x0], $0xffff;
	v2 =	vadd.f32 v3, v2;
	v3 =	vmul.f32 v4, v60  }
0x58: {  	v4 =	vld.idx.msk [tilespmem:v61+s12+$0x0], $0xffff  }
0x59: {  	v16 =	vld.idx.msk [tilespmem:v6+s11+$0x0], $0xffff;
	v2 =	vadd.f32 v3, v2;
	v3 =	vmul.f32 v5, v62  }
0x5a: {  	v5 =	vld.idx.msk [tilespmem:v6+s12+$0x0], $0xffff  }
0x5b: {  	v6 =	vld.idx.msk [tilespmem:v1+s11+$0x0], $0xffff;
	v2 =	vadd.f32 v3, v2;
	v3 =	vmul.f32 v7, v63  }
0x5c: {  	v7 =	vld.idx.msk [tilespmem:v1+s12+$0x0], $0xffff  }
0x5d: {  	v1 =	vadd.f32 v3, v2;
	v2 =	vmul.f32 v4, v15  }
0x5e: {  	s17 =	simm.s32 $0x10  }
0x5f: {  	v3 =	vmov s17;
	v4 =	vmul.f32 v5, v16;
	v2 =	vadd.f32 v2, v1  }
0x60: {  	v1 =	vshll.u32 v3, $0x5  }
0x61: {  	v1 =	vor.u32 v0, v1;
	v3 =	vmul.f32 v7, v6;
	v2 =	vadd.f32 v4, v2;
	_ =	sdelay $0x1  }
0x62: {  	v4 =	vor.u32 $0x1, v1;
	v2 =	vadd.f32 v3, v2;
	_ =	sdelay $0x1  }
0x63: {  	v3 =	vor.u32 $0x2, v1;
	[tilespmem:s15+$0x0] =	vst v2  }
0x64: {  	v2 =	vld.idx.msk [tilespmem:v1+s12+$0x0], $0xffff  }
0x65: {  	v6 =	vor.u32 $0x3, v1;
	v5 =	vld.idx.msk [tilespmem:v1+s11+$0x0], $0xffff  }
0x66: {  	v7 =	vld.idx.msk [tilespmem:v4+s11+$0x0], $0xffff  }
0x67: {  	v17 =	vor.u32 $0x4, v1;
	v4 =	vld.idx.msk [tilespmem:v4+s12+$0x0], $0xffff  }
0x68: {  	v18 =	vld.idx.msk [tilespmem:v3+s11+$0x0], $0xffff  }
0x69: {  	v19 =	vor.u32 $0x5, v1;
	v3 =	vld.idx.msk [tilespmem:v3+s12+$0x0], $0xffff  }
0x6a: {  	v20 =	vld.idx.msk [tilespmem:v6+s11+$0x0], $0xffff;
	v2 =	vmul.f32 v2, v5  }
0x6b: {  	v5 =	vld.idx.msk [tilespmem:v6+s12+$0x0], $0xffff;
	v6 =	vor.u32 $0x6, v1  }
0x6c: {  	v21 =	vld.idx.msk [tilespmem:v17+s11+$0x0], $0xffff;
	v4 =	vmul.f32 v4, v7;
	v2 =	vadd.f32 $0.0e+00, v2  }
0x6d: {  	v22 =	vor.u32 $0x7, v1;
	v7 =	vld.idx.msk [tilespmem:v17+s12+$0x0], $0xffff  }
0x6e: {  	v23 =	vld.idx.msk [tilespmem:v19+s11+$0x0], $0xffff;
	v3 =	vmul.f32 v3, v18;
	v2 =	vadd.f32 v4, v2  }
0x6f: {  	v24 =	vor.u32 $0x8, v1;
	v4 =	vld.idx.msk [tilespmem:v19+s12+$0x0], $0xffff  }
0x70: {  	v25 =	vld.idx.msk [tilespmem:v6+s11+$0x0], $0xffff;
	v2 =	vadd.f32 v3, v2;
	v3 =	vmul.f32 v5, v20  }
0x71: {  	v5 =	vld.idx.msk [tilespmem:v6+s12+$0x0], $0xffff;
	v6 =	vor.u32 $0x9, v1  }
0x72: {  	v26 =	vld.idx.msk [tilespmem:v22+s11+$0x0], $0xffff;
	v2 =	vadd.f32 v3, v2;
	v3 =	vmul.f32 v7, v21  }
0x73: {  	v27 =	vor.u32 $0xA, v1;
	v7 =	vld.idx.msk [tilespmem:v22+s12+$0x0], $0xffff  }
0x74: {  	v28 =	vld.idx.msk [tilespmem:v24+s11+$0x0], $0xffff;
	v2 =	vadd.f32 v3, v2;
	v3 =	vmul.f32 v4, v23  }
0x75: {  	v29 =	vor.u32 $0xB, v1;
	v4 =	vld.idx.msk [tilespmem:v24+s12+$0x0], $0xffff  }
0x76: {  	v30 =	vld.idx.msk [tilespmem:v6+s11+$0x0], $0xffff;
	v2 =	vadd.f32 v3, v2;
	v3 =	vmul.f32 v5, v25  }
0x77: {  	v5 =	vld.idx.msk [tilespmem:v6+s12+$0x0], $0xffff;
	v6 =	vor.u32 $0xC, v1  }
0x78: {  	v31 =	vld.idx.msk [tilespmem:v27+s11+$0x0], $0xffff;
	v2 =	vadd.f32 v3, v2;
	v3 =	vmul.f32 v7, v26  }
0x79: {  	v32 =	vor.u32 $0xD, v1;
	v7 =	vld.idx.msk [tilespmem:v27+s12+$0x0], $0xffff  }
0x7a: {  	v33 =	vld.idx.msk [tilespmem:v29+s11+$0x0], $0xffff;
	v2 =	vadd.f32 v3, v2;
	v3 =	vmul.f32 v4, v28  }
0x7b: {  	v34 =	vor.u32 $0xE, v1;
	v4 =	vld.idx.msk [tilespmem:v29+s12+$0x0], $0xffff  }
0x7c: {  	v35 =	vld.idx.msk [tilespmem:v6+s11+$0x0], $0xffff;
	v2 =	vadd.f32 v3, v2;
	v3 =	vmul.f32 v5, v30  }
0x7d: {  	v5 =	vld.idx.msk [tilespmem:v6+s12+$0x0], $0xffff;
	v6 =	vor.u32 $0xF, v1  }
0x7e: {  	v36 =	vld.idx.msk [tilespmem:v32+s11+$0x0], $0xffff;
	v2 =	vadd.f32 v3, v2;
	v3 =	vmul.f32 v7, v31  }
0x7f: {  	v37 =	vor.u32 $0x10, v1;
	v7 =	vld.idx.msk [tilespmem:v32+s12+$0x0], $0xffff  }
0x80: {  	v38 =	vld.idx.msk [tilespmem:v34+s11+$0x0], $0xffff;
	v2 =	vadd.f32 v3, v2;
	v3 =	vmul.f32 v4, v33  }
0x81: {  	v39 =	vor.u32 $0x11, v1;
	v4 =	vld.idx.msk [tilespmem:v34+s12+$0x0], $0xffff  }
0x82: {  	v40 =	vld.idx.msk [tilespmem:v6+s11+$0x0], $0xffff;
	v2 =	vadd.f32 v3, v2;
	v3 =	vmul.f32 v5, v35  }
0x83: {  	v5 =	vld.idx.msk [tilespmem:v6+s12+$0x0], $0xffff;
	v6 =	vor.u32 $0x12, v1  }
0x84: {  	v41 =	vld.idx.msk [tilespmem:v37+s11+$0x0], $0xffff;
	v2 =	vadd.f32 v3, v2;
	v3 =	vmul.f32 v7, v36  }
0x85: {  	v42 =	vor.u32 $0x13, v1;
	v7 =	vld.idx.msk [tilespmem:v37+s12+$0x0], $0xffff  }
0x86: {  	v43 =	vld.idx.msk [tilespmem:v39+s11+$0x0], $0xffff;
	v2 =	vadd.f32 v3, v2;
	v3 =	vmul.f32 v4, v38  }
0x87: {  	v44 =	vor.u32 $0x14, v1;
	v4 =	vld.idx.msk [tilespmem:v39+s12+$0x0], $0xffff  }
0x88: {  	v45 =	vld.idx.msk [tilespmem:v6+s11+$0x0], $0xffff;
	v2 =	vadd.f32 v3, v2;
	v3 =	vmul.f32 v5, v40  }
0x89: {  	v5 =	vld.idx.msk [tilespmem:v6+s12+$0x0], $0xffff;
	v6 =	vor.u32 $0x15, v1  }
0x8a: {  	v46 =	vld.idx.msk [tilespmem:v42+s11+$0x0], $0xffff;
	v2 =	vadd.f32 v3, v2;
	v3 =	vmul.f32 v7, v41  }
0x8b: {  	v47 =	vor.u32 $0x16, v1;
	v7 =	vld.idx.msk [tilespmem:v42+s12+$0x0], $0xffff  }
0x8c: {  	v48 =	vld.idx.msk [tilespmem:v44+s11+$0x0], $0xffff;
	v2 =	vadd.f32 v3, v2;
	v3 =	vmul.f32 v4, v43  }
0x8d: {  	v49 =	vor.u32 $0x17, v1;
	v4 =	vld.idx.msk [tilespmem:v44+s12+$0x0], $0xffff  }
0x8e: {  	v50 =	vld.idx.msk [tilespmem:v6+s11+$0x0], $0xffff;
	v2 =	vadd.f32 v3, v2;
	v3 =	vmul.f32 v5, v45  }
0x8f: {  	v5 =	vld.idx.msk [tilespmem:v6+s12+$0x0], $0xffff;
	v6 =	vor.u32 $0x18, v1  }
0x90: {  	v51 =	vld.idx.msk [tilespmem:v47+s11+$0x0], $0xffff;
	v2 =	vadd.f32 v3, v2;
	v3 =	vmul.f32 v7, v46  }
0x91: {  	v52 =	vor.u32 $0x19, v1;
	v7 =	vld.idx.msk [tilespmem:v47+s12+$0x0], $0xffff  }
0x92: {  	v53 =	vld.idx.msk [tilespmem:v49+s11+$0x0], $0xffff;
	v2 =	vadd.f32 v3, v2;
	v3 =	vmul.f32 v4, v48  }
0x93: {  	v54 =	vor.u32 $0x1A, v1;
	v4 =	vld.idx.msk [tilespmem:v49+s12+$0x0], $0xffff  }
0x94: {  	v55 =	vld.idx.msk [tilespmem:v6+s11+$0x0], $0xffff;
	v2 =	vadd.f32 v3, v2;
	v3 =	vmul.f32 v5, v50  }
0x95: {  	v5 =	vld.idx.msk [tilespmem:v6+s12+$0x0], $0xffff;
	v6 =	vor.u32 $0x1B, v1  }
0x96: {  	v56 =	vld.idx.msk [tilespmem:v52+s11+$0x0], $0xffff;
	v2 =	vadd.f32 v3, v2;
	v3 =	vmul.f32 v7, v51  }
0x97: {  	v57 =	vor.u32 $0x1C, v1;
	v7 =	vld.idx.msk [tilespmem:v52+s12+$0x0], $0xffff  }
0x98: {  	v58 =	vld.idx.msk [tilespmem:v54+s11+$0x0], $0xffff;
	v2 =	vadd.f32 v3, v2;
	v3 =	vmul.f32 v4, v53  }
0x99: {  	v4 =	vld.idx.msk [tilespmem:v54+s12+$0x0], $0xffff  }
0x9a: {  	v60 =	vld.idx.msk [tilespmem:v6+s11+$0x0], $0xffff;
	v2 =	vadd.f32 v3, v2;
	v3 =	vmul.f32 v5, v55  }
0x9b: {  	v59 =	vor.u32 $0x1D, v1;
	v5 =	vld.idx.msk [tilespmem:v6+s12+$0x0], $0xffff  }
0x9c: {  	v61 =	vld.idx.msk [tilespmem:v57+s11+$0x0], $0xffff;
	v2 =	vadd.f32 v3, v2;
	v3 =	vmul.f32 v7, v56  }
0x9d: {  	v6 =	vor.u32 $0x1E, v1;
	v7 =	vld.idx.msk [tilespmem:v57+s12+$0x0], $0xffff  }
0x9e: {  	v2 =	vadd.f32 v3, v2;
	v3 =	vmul.f32 v4, v58  }
0x9f: {  	v1 =	vor.u32 $0x1F, v1  }
0xa0: {  	v62 =	vld.idx.msk [tilespmem:v59+s11+$0x0], $0xffff;
	v2 =	vadd.f32 v3, v2;
	v3 =	vmul.f32 v5, v60  }
0xa1: {  	v4 =	vld.idx.msk [tilespmem:v59+s12+$0x0], $0xffff  }
0xa2: {  	v63 =	vld.idx.msk [tilespmem:v6+s11+$0x0], $0xffff;
	v2 =	vadd.f32 v3, v2;
	v3 =	vmul.f32 v7, v61  }
0xa3: {  	v5 =	vld.idx.msk [tilespmem:v6+s12+$0x0], $0xffff  }
0xa4: {  	v6 =	vadd.f32 v3, v2;
	v2 =	vld.idx.msk [tilespmem:v1+s11+$0x0], $0xffff  }
0xa5: {  	v3 =	vld.idx.msk [tilespmem:v1+s12+$0x0], $0xffff  }
0xa6: {  	v4 =	vmul.f32 v4, v62  }
0xa7: {  	s31 =	simm.s32 $0x20  }
0xa8: {  	v7 =	vmov s31;
	v5 =	vmul.f32 v5, v63;
	v4 =	vadd.f32 v4, v6  }
0xa9: {  	s18 =	simm.s32 $0x30;
	s17 =	simm.s32 $0x8400;
	v1 =	vshll.u32 v7, $0x5  }
.LBB2_2:
0xaa: {  	p0 =	sne.s32 s18, $0x1F0;
	v1 =	vor.u32 v0, v1;
	v4 =	vadd.f32 v5, v4;
	v2 =	vmul.f32 v3, v2;
	_ =	sdelay $0x1  }
0xab: {  	v3 =	vor.u32 $0x1, v1;
	v2 =	vadd.f32 v2, v4  }
0xac: {  	s17 =	sadd.s32 $0x10, s17  }
0xad: {  	v4 =	vor.u32 $0x2, v1;
	[tilespmem:s17+$0x0] =	vst v2  }
0xae: {  	v2 =	vld.idx.msk [tilespmem:v1+s12+$0x0], $0xffff  }
0xaf: {  	v6 =	vor.u32 $0x3, v1;
	v5 =	vld.idx.msk [tilespmem:v1+s11+$0x0], $0xffff  }
0xb0: {  	v7 =	vld.idx.msk [tilespmem:v3+s11+$0x0], $0xffff  }
0xb1: {  	v8 =	vor.u32 $0x4, v1;
	v3 =	vld.idx.msk [tilespmem:v3+s12+$0x0], $0xffff  }
0xb2: {  	v9 =	vld.idx.msk [tilespmem:v4+s11+$0x0], $0xffff  }
0xb3: {  	v10 =	vor.u32 $0x5, v1;
	v4 =	vld.idx.msk [tilespmem:v4+s12+$0x0], $0xffff  }
0xb4: {  	v11 =	vld.idx.msk [tilespmem:v6+s11+$0x0], $0xffff  }
0xb5: {  	v2 =	vmul.f32 v2, v5;
	v5 =	vld.idx.msk [tilespmem:v6+s12+$0x0], $0xffff;
	v6 =	vor.u32 $0x6, v1  }
0xb6: {  	v12 =	vld.idx.msk [tilespmem:v8+s11+$0x0], $0xffff  }
0xb7: {  	v2 =	vadd.f32 $0.0e+00, v2;
	v3 =	vmul.f32 v3, v7;
	v7 =	vld.idx.msk [tilespmem:v8+s12+$0x0], $0xffff;
	v8 =	vor.u32 $0x7, v1  }
0xb8: {  	v13 =	vld.idx.msk [tilespmem:v10+s11+$0x0], $0xffff  }
0xb9: {  	v2 =	vadd.f32 v3, v2;
	v3 =	vmul.f32 v4, v9;
	v9 =	vor.u32 $0x8, v1;
	v4 =	vld.idx.msk [tilespmem:v10+s12+$0x0], $0xffff  }
0xba: {  	v10 =	vld.idx.msk [tilespmem:v6+s11+$0x0], $0xffff  }
0xbb: {  	v2 =	vadd.f32 v3, v2;
	v3 =	vmul.f32 v5, v11;
	v5 =	vld.idx.msk [tilespmem:v6+s12+$0x0], $0xffff;
	v6 =	vor.u32 $0x9, v1  }
0xbc: {  	v11 =	vld.idx.msk [tilespmem:v8+s11+$0x0], $0xffff  }
0xbd: {  	v2 =	vadd.f32 v3, v2;
	v3 =	vmul.f32 v7, v12;
	v7 =	vld.idx.msk [tilespmem:v8+s12+$0x0], $0xffff;
	v8 =	vor.u32 $0xA, v1  }
0xbe: {  	v12 =	vld.idx.msk [tilespmem:v9+s11+$0x0], $0xffff  }
0xbf: {  	v2 =	vadd.f32 v3, v2;
	v3 =	vmul.f32 v4, v13;
	v4 =	vld.idx.msk [tilespmem:v9+s12+$0x0], $0xffff;
	v9 =	vor.u32 $0xB, v1  }
0xc0: {  	v13 =	vld.idx.msk [tilespmem:v6+s11+$0x0], $0xffff  }
0xc1: {  	v2 =	vadd.f32 v3, v2;
	v3 =	vmul.f32 v5, v10;
	v5 =	vld.idx.msk [tilespmem:v6+s12+$0x0], $0xffff;
	v6 =	vor.u32 $0xC, v1  }
0xc2: {  	v10 =	vld.idx.msk [tilespmem:v8+s11+$0x0], $0xffff  }
0xc3: {  	v2 =	vadd.f32 v3, v2;
	v3 =	vmul.f32 v7, v11;
	v7 =	vld.idx.msk [tilespmem:v8+s12+$0x0], $0xffff;
	v8 =	vor.u32 $0xD, v1  }
0xc4: {  	v11 =	vld.idx.msk [tilespmem:v9+s11+$0x0], $0xffff  }
0xc5: {  	v2 =	vadd.f32 v3, v2;
	v3 =	vmul.f32 v4, v12;
	v4 =	vld.idx.msk [tilespmem:v9+s12+$0x0], $0xffff;
	v9 =	vor.u32 $0xE, v1  }
0xc6: {  	v12 =	vld.idx.msk [tilespmem:v6+s11+$0x0], $0xffff  }
0xc7: {  	v2 =	vadd.f32 v3, v2;
	v3 =	vmul.f32 v5, v13;
	v5 =	vld.idx.msk [tilespmem:v6+s12+$0x0], $0xffff;
	v6 =	vor.u32 $0xF, v1  }
0xc8: {  	v13 =	vld.idx.msk [tilespmem:v8+s11+$0x0], $0xffff  }
0xc9: {  	v2 =	vadd.f32 v3, v2;
	v3 =	vmul.f32 v7, v10;
	v7 =	vld.idx.msk [tilespmem:v8+s12+$0x0], $0xffff;
	v8 =	vor.u32 $0x10, v1  }
0xca: {  	v10 =	vld.idx.msk [tilespmem:v9+s11+$0x0], $0xffff  }
0xcb: {  	v2 =	vadd.f32 v3, v2;
	v3 =	vmul.f32 v4, v11;
	v4 =	vld.idx.msk [tilespmem:v9+s12+$0x0], $0xffff;
	v9 =	vor.u32 $0x11, v1  }
0xcc: {  	v11 =	vld.idx.msk [tilespmem:v6+s11+$0x0], $0xffff  }
0xcd: {  	v2 =	vadd.f32 v3, v2;
	v3 =	vmul.f32 v5, v12;
	v5 =	vld.idx.msk [tilespmem:v6+s12+$0x0], $0xffff;
	v6 =	vor.u32 $0x12, v1  }
0xce: {  	v12 =	vld.idx.msk [tilespmem:v8+s11+$0x0], $0xffff  }
0xcf: {  	v2 =	vadd.f32 v3, v2;
	v3 =	vmul.f32 v7, v13;
	v7 =	vld.idx.msk [tilespmem:v8+s12+$0x0], $0xffff;
	v8 =	vor.u32 $0x13, v1  }
0xd0: {  	v13 =	vld.idx.msk [tilespmem:v9+s11+$0x0], $0xffff  }
0xd1: {  	v2 =	vadd.f32 v3, v2;
	v3 =	vmul.f32 v4, v10;
	v4 =	vld.idx.msk [tilespmem:v9+s12+$0x0], $0xffff;
	v9 =	vor.u32 $0x14, v1  }
0xd2: {  	v10 =	vld.idx.msk [tilespmem:v6+s11+$0x0], $0xffff  }
0xd3: {  	v2 =	vadd.f32 v3, v2;
	v3 =	vmul.f32 v5, v11;
	v5 =	vld.idx.msk [tilespmem:v6+s12+$0x0], $0xffff;
	v6 =	vor.u32 $0x15, v1  }
0xd4: {  	v11 =	vld.idx.msk [tilespmem:v8+s11+$0x0], $0xffff  }
0xd5: {  	v2 =	vadd.f32 v3, v2;
	v3 =	vmul.f32 v7, v12;
	v7 =	vld.idx.msk [tilespmem:v8+s12+$0x0], $0xffff;
	v8 =	vor.u32 $0x16, v1  }
0xd6: {  	v12 =	vld.idx.msk [tilespmem:v9+s11+$0x0], $0xffff  }
0xd7: {  	v2 =	vadd.f32 v3, v2;
	v3 =	vmul.f32 v4, v13;
	v4 =	vld.idx.msk [tilespmem:v9+s12+$0x0], $0xffff;
	v9 =	vor.u32 $0x17, v1  }
0xd8: {  	v13 =	vld.idx.msk [tilespmem:v6+s11+$0x0], $0xffff  }
0xd9: {  	v2 =	vadd.f32 v3, v2;
	v3 =	vmul.f32 v5, v10;
	v5 =	vld.idx.msk [tilespmem:v6+s12+$0x0], $0xffff;
	v6 =	vor.u32 $0x18, v1  }
0xda: {  	v10 =	vld.idx.msk [tilespmem:v8+s11+$0x0], $0xffff  }
0xdb: {  	v2 =	vadd.f32 v3, v2;
	v3 =	vmul.f32 v7, v11;
	v7 =	vld.idx.msk [tilespmem:v8+s12+$0x0], $0xffff;
	v8 =	vor.u32 $0x19, v1  }
0xdc: {  	v11 =	vld.idx.msk [tilespmem:v9+s11+$0x0], $0xffff  }
0xdd: {  	v2 =	vadd.f32 v3, v2;
	v3 =	vmul.f32 v4, v12;
	v4 =	vld.idx.msk [tilespmem:v9+s12+$0x0], $0xffff;
	v9 =	vor.u32 $0x1A, v1  }
0xde: {  	v12 =	vld.idx.msk [tilespmem:v6+s11+$0x0], $0xffff  }
0xdf: {  	v2 =	vadd.f32 v3, v2;
	v3 =	vmul.f32 v5, v13;
	v5 =	vld.idx.msk [tilespmem:v6+s12+$0x0], $0xffff;
	v6 =	vor.u32 $0x1B, v1  }
0xe0: {  	v13 =	vld.idx.msk [tilespmem:v8+s11+$0x0], $0xffff  }
0xe1: {  	v2 =	vadd.f32 v3, v2;
	v3 =	vmul.f32 v7, v10;
	v7 =	vld.idx.msk [tilespmem:v8+s12+$0x0], $0xffff;
	v8 =	vor.u32 $0x1C, v1  }
0xe2: {  	v10 =	vld.idx.msk [tilespmem:v9+s11+$0x0], $0xffff  }
0xe3: {  	v2 =	vadd.f32 v3, v2;
	v3 =	vmul.f32 v4, v11;
	v4 =	vld.idx.msk [tilespmem:v9+s12+$0x0], $0xffff;
	v9 =	vor.u32 $0x1D, v1  }
0xe4: {  	v11 =	vld.idx.msk [tilespmem:v6+s11+$0x0], $0xffff  }
0xe5: {  	v2 =	vadd.f32 v3, v2;
	v3 =	vmul.f32 v5, v12;
	v5 =	vld.idx.msk [tilespmem:v6+s12+$0x0], $0xffff;
	v6 =	vor.u32 $0x1E, v1  }
0xe6: {  	v12 =	vld.idx.msk [tilespmem:v8+s11+$0x0], $0xffff  }
0xe7: {  	v1 =	vor.u32 $0x1F, v1;
	v2 =	vadd.f32 v3, v2;
	v3 =	vmul.f32 v7, v13;
	v7 =	vld.idx.msk [tilespmem:v8+s12+$0x0], $0xffff  }
0xe8: {  	v8 =	vld.idx.msk [tilespmem:v9+s11+$0x0], $0xffff  }
0xe9: {  	v2 =	vadd.f32 v3, v2;
	v3 =	vmul.f32 v4, v10;
	v4 =	vld.idx.msk [tilespmem:v9+s12+$0x0], $0xffff  }
0xea: {  	v9 =	vld.idx.msk [tilespmem:v6+s11+$0x0], $0xffff  }
0xeb: {  	v3 =	vadd.f32 v3, v2;
	v5 =	vmul.f32 v5, v11;
	v6 =	vld.idx.msk [tilespmem:v6+s12+$0x0], $0xffff  }
0xec: {  	v2 =	vld.idx.msk [tilespmem:v1+s11+$0x0], $0xffff  }
0xed: {  	v5 =	vadd.f32 v5, v3;
	v7 =	vmul.f32 v7, v12;
	v3 =	vld.idx.msk [tilespmem:v1+s12+$0x0], $0xffff  }
.Ltmp0:
0xee: {  	(pc) =	sbr.rel @p0 .LBB2_2-.Ltmp0, $3  }
0xef: {  	v1 =	vadd.f32 v7, v5;
	v4 =	vmul.f32 v4, v8;
	_ =	sdelay $0x1  }
0xf0: {  	v7 =	vmov s18;
	v4 =	vadd.f32 v4, v1;
	v5 =	vmul.f32 v6, v9  }
0xf1: {  	s18 =	sadd.s32 $0x10, s18;
	v1 =	vshll.u32 v7, $0x5  }
0xf2: {  	v1 =	vor.u32 v0, v1;
	v4 =	vadd.f32 v5, v4;
	v2 =	vmul.f32 v3, v2;
	_ =	sdelay $0x1  }
0xf3: {  	v3 =	vor.u32 $0x1, v1;
	v2 =	vadd.f32 v2, v4  }
0xf4: {  	s17 =	sadd.s32 $0x10, s17  }
0xf5: {  	v31 =	vor.u32 $0x2, v1;
	[tilespmem:s17+$0x0] =	vst v2  }
0xf6: {  	v2 =	vld.idx.msk [tilespmem:v1+s12+$0x0], $0xffff  }
0xf7: {  	v6 =	vor.u32 $0x3, v1;
	v32 =	vld.idx.msk [tilespmem:v1+s11+$0x0], $0xffff  }
0xf8: {  	v7 =	vld.idx.msk [tilespmem:v3+s11+$0x0], $0xffff  }
0xf9: {  	v8 =	vor.u32 $0x4, v1;
	v3 =	vld.idx.msk [tilespmem:v3+s12+$0x0], $0xffff  }
0xfa: {  	v9 =	vld.idx.msk [tilespmem:v31+s11+$0x0], $0xffff  }
0xfb: {  	v10 =	vor.u32 $0x5, v1;
	v4 =	vld.idx.msk [tilespmem:v31+s12+$0x0], $0xffff  }
0xfc: {  	v11 =	vld.idx.msk [tilespmem:v6+s11+$0x0], $0xffff;
	v2 =	vmul.f32 v2, v32  }
0xfd: {  	v34 =	vor.u32 $0x6, v1;
	v33 =	vld.idx.msk [tilespmem:v6+s12+$0x0], $0xffff  }
0xfe: {  	v12 =	vld.idx.msk [tilespmem:v8+s11+$0x0], $0xffff;
	v3 =	vmul.f32 v3, v7;
	v2 =	vadd.f32 $0.0e+00, v2  }
0xff: {  	v36 =	vor.u32 $0x7, v1;
	v35 =	vld.idx.msk [tilespmem:v8+s12+$0x0], $0xffff  }
0x100: {  	v13 =	vld.idx.msk [tilespmem:v10+s11+$0x0], $0xffff;
	v2 =	vadd.f32 v3, v2;
	v3 =	vmul.f32 v4, v9  }
0x101: {  	v38 =	vor.u32 $0x8, v1;
	v37 =	vld.idx.msk [tilespmem:v10+s12+$0x0], $0xffff  }
0x102: {  	v39 =	vld.idx.msk [tilespmem:v34+s11+$0x0], $0xffff;
	v2 =	vadd.f32 v3, v2;
	v3 =	vmul.f32 v33, v11  }
0x103: {  	v41 =	vor.u32 $0x9, v1;
	v40 =	vld.idx.msk [tilespmem:v34+s12+$0x0], $0xffff  }
0x104: {  	v42 =	vld.idx.msk [tilespmem:v36+s11+$0x0], $0xffff;
	v2 =	vadd.f32 v3, v2;
	v3 =	vmul.f32 v35, v12  }
0x105: {  	v44 =	vor.u32 $0xA, v1;
	v43 =	vld.idx.msk [tilespmem:v36+s12+$0x0], $0xffff  }
0x106: {  	v45 =	vld.idx.msk [tilespmem:v38+s11+$0x0], $0xffff;
	v2 =	vadd.f32 v3, v2;
	v3 =	vmul.f32 v37, v13  }
0x107: {  	v47 =	vor.u32 $0xB, v1;
	v46 =	vld.idx.msk [tilespmem:v38+s12+$0x0], $0xffff  }
0x108: {  	v48 =	vld.idx.msk [tilespmem:v41+s11+$0x0], $0xffff;
	v2 =	vadd.f32 v3, v2;
	v3 =	vmul.f32 v40, v39  }
0x109: {  	v50 =	vor.u32 $0xC, v1;
	v49 =	vld.idx.msk [tilespmem:v41+s12+$0x0], $0xffff  }
0x10a: {  	v51 =	vld.idx.msk [tilespmem:v44+s11+$0x0], $0xffff;
	v2 =	vadd.f32 v3, v2;
	v3 =	vmul.f32 v43, v42  }
0x10b: {  	v53 =	vor.u32 $0xD, v1;
	v52 =	vld.idx.msk [tilespmem:v44+s12+$0x0], $0xffff  }
0x10c: {  	v54 =	vld.idx.msk [tilespmem:v47+s11+$0x0], $0xffff;
	v2 =	vadd.f32 v3, v2;
	v3 =	vmul.f32 v46, v45  }
0x10d: {  	v56 =	vor.u32 $0xE, v1;
	v55 =	vld.idx.msk [tilespmem:v47+s12+$0x0], $0xffff  }
0x10e: {  	v57 =	vld.idx.msk [tilespmem:v50+s11+$0x0], $0xffff;
	v2 =	vadd.f32 v3, v2;
	v3 =	vmul.f32 v49, v48  }
0x10f: {  	v59 =	vor.u32 $0xF, v1;
	v58 =	vld.idx.msk [tilespmem:v50+s12+$0x0], $0xffff  }
0x110: {  	v60 =	vld.idx.msk [tilespmem:v53+s11+$0x0], $0xffff;
	v2 =	vadd.f32 v3, v2;
	v3 =	vmul.f32 v52, v51  }
0x111: {  	v62 =	vor.u32 $0x10, v1;
	v61 =	vld.idx.msk [tilespmem:v53+s12+$0x0], $0xffff  }
0x112: {  	v63 =	vld.idx.msk [tilespmem:v56+s11+$0x0], $0xffff;
	v2 =	vadd.f32 v3, v2;
	v3 =	vmul.f32 v55, v54  }
0x113: {  	v17 =	vor.u32 $0x11, v1;
	v16 =	vld.idx.msk [tilespmem:v56+s12+$0x0], $0xffff  }
0x114: {  	v18 =	vld.idx.msk [tilespmem:v59+s11+$0x0], $0xffff;
	v2 =	vadd.f32 v3, v2;
	v3 =	vmul.f32 v58, v57  }
0x115: {  	v20 =	vor.u32 $0x12, v1;
	v19 =	vld.idx.msk [tilespmem:v59+s12+$0x0], $0xffff  }
0x116: {  	v21 =	vld.idx.msk [tilespmem:v62+s11+$0x0], $0xffff;
	v2 =	vadd.f32 v3, v2;
	v3 =	vmul.f32 v61, v60  }
0x117: {  	v23 =	vor.u32 $0x13, v1;
	v22 =	vld.idx.msk [tilespmem:v62+s12+$0x0], $0xffff  }
0x118: {  	v24 =	vld.idx.msk [tilespmem:v17+s11+$0x0], $0xffff;
	v2 =	vadd.f32 v3, v2;
	v3 =	vmul.f32 v16, v63  }
0x119: {  	v26 =	vor.u32 $0x14, v1;
	v25 =	vld.idx.msk [tilespmem:v17+s12+$0x0], $0xffff  }
0x11a: {  	v27 =	vld.idx.msk [tilespmem:v20+s11+$0x0], $0xffff;
	v2 =	vadd.f32 v3, v2;
	v3 =	vmul.f32 v19, v18  }
0x11b: {  	v29 =	vor.u32 $0x15, v1;
	v28 =	vld.idx.msk [tilespmem:v20+s12+$0x0], $0xffff  }
0x11c: {  	v30 =	vld.idx.msk [tilespmem:v23+s11+$0x0], $0xffff;
	v2 =	vadd.f32 v3, v2;
	v3 =	vmul.f32 v22, v21  }
0x11d: {  	v31 =	vld.idx.msk [tilespmem:v23+s12+$0x0], $0xffff;
	v32 =	vor.u32 $0x16, v1  }
0x11e: {  	v34 =	vld.idx.msk [tilespmem:v26+s12+$0x0], $0xffff;
	v2 =	vadd.f32 v3, v2;
	v3 =	vmul.f32 v25, v24  }
0x11f: {  	v33 =	vld.idx.msk [tilespmem:v26+s11+$0x0], $0xffff;
	v35 =	vor.u32 $0x17, v1  }
0x120: {  	v36 =	vld.idx.msk [tilespmem:v29+s11+$0x0], $0xffff;
	v2 =	vadd.f32 v3, v2;
	v3 =	vmul.f32 v28, v27  }
0x121: {  	v38 =	vor.u32 $0x18, v1;
	v37 =	vld.idx.msk [tilespmem:v29+s12+$0x0], $0xffff  }
0x122: {  	v39 =	vld.idx.msk [tilespmem:v32+s11+$0x0], $0xffff;
	v2 =	vadd.f32 v3, v2;
	v3 =	vmul.f32 v31, v30  }
0x123: {  	v41 =	vor.u32 $0x19, v1;
	v40 =	vld.idx.msk [tilespmem:v32+s12+$0x0], $0xffff  }
0x124: {  	v42 =	vld.idx.msk [tilespmem:v35+s11+$0x0], $0xffff;
	v2 =	vadd.f32 v3, v2;
	v3 =	vmul.f32 v34, v33  }
0x125: {  	v44 =	vor.u32 $0x1A, v1;
	v43 =	vld.idx.msk [tilespmem:v35+s12+$0x0], $0xffff  }
0x126: {  	v45 =	vld.idx.msk [tilespmem:v38+s11+$0x0], $0xffff;
	v2 =	vadd.f32 v3, v2;
	v3 =	vmul.f32 v37, v36  }
0x127: {  	v47 =	vor.u32 $0x1B, v1;
	v46 =	vld.idx.msk [tilespmem:v38+s12+$0x0], $0xffff  }
0x128: {  	v48 =	vld.idx.msk [tilespmem:v41+s11+$0x0], $0xffff;
	v2 =	vadd.f32 v3, v2;
	v3 =	vmul.f32 v40, v39  }
0x129: {  	v50 =	vor.u32 $0x1C, v1;
	v49 =	vld.idx.msk [tilespmem:v41+s12+$0x0], $0xffff  }
0x12a: {  	v51 =	vld.idx.msk [tilespmem:v44+s11+$0x0], $0xffff;
	v2 =	vadd.f32 v3, v2;
	v3 =	vmul.f32 v43, v42  }
0x12b: {  	v53 =	vor.u32 $0x1D, v1;
	v52 =	vld.idx.msk [tilespmem:v44+s12+$0x0], $0xffff  }
0x12c: {  	v54 =	vld.idx.msk [tilespmem:v47+s11+$0x0], $0xffff;
	v2 =	vadd.f32 v3, v2;
	v3 =	vmul.f32 v46, v45  }
0x12d: {  	v56 =	vor.u32 $0x1E, v1;
	v55 =	vld.idx.msk [tilespmem:v47+s12+$0x0], $0xffff  }
0x12e: {  	v57 =	vld.idx.msk [tilespmem:v50+s11+$0x0], $0xffff;
	v2 =	vadd.f32 v3, v2;
	v3 =	vmul.f32 v49, v48  }
0x12f: {  	v1 =	vor.u32 $0x1F, v1;
	v58 =	vld.idx.msk [tilespmem:v50+s12+$0x0], $0xffff  }
0x130: {  	v59 =	vld.idx.msk [tilespmem:v53+s11+$0x0], $0xffff;
	v2 =	vadd.f32 v3, v2;
	v3 =	vmul.f32 v52, v51  }
0x131: {  	v60 =	vld.idx.msk [tilespmem:v53+s12+$0x0], $0xffff  }
0x132: {  	v62 =	vld.idx.msk [tilespmem:v56+s12+$0x0], $0xffff;
	v2 =	vadd.f32 v3, v2;
	v3 =	vmul.f32 v55, v54  }
0x133: {  	v61 =	vld.idx.msk [tilespmem:v56+s11+$0x0], $0xffff  }
0x134: {  	v63 =	vld.idx.msk [tilespmem:v1+s11+$0x0], $0xffff;
	v2 =	vadd.f32 v3, v2;
	v3 =	vmul.f32 v58, v57  }
0x135: {  	v1 =	vld.idx.msk [tilespmem:v1+s12+$0x0], $0xffff  }
0x136: {  	v2 =	vadd.f32 v3, v2;
	v3 =	vmul.f32 v60, v59;
	_ =	sdelay $0x1  }
0x137: {  	v2 =	vadd.f32 v3, v2;
	v3 =	vmul.f32 v62, v61;
	_ =	sdelay $0x1  }
0x138: {  	v1 =	vmul.f32 v1, v63;
	v2 =	vadd.f32 v3, v2;
	_ =	sdelay $0x1  }
0x139: {  	s16 =	sadd.s32 $0x1, s16;
	v1 =	vadd.f32 v1, v2  }
0x13a: {  	p0 =	sne.s32 s16, s8;
	s17 =	sadd.s32 $0x10, s17  }
.Ltmp1:
0x13b: {  	[tilespmem:s17+$0x0] =	vst v1;
	(pc) =	sbr.rel @p0 .LBB2_1-.Ltmp1, $4  }
0x13c: {  	[hbm4b:s7+s2] =	stream.linear.scatter [tilespmem:s15], [sflag:$0x3], $0x200, $0x38;
	[tilespmem:$0x8600] =	vst v63  }
0x13d: {  	_ =	swait.ge [sflag:s9], $0x200  }
0x13e: {  	[sflag:s9] =	ssyncset.done $0x0  }
0x13f: {  	[sflag:s9] =	ssyncadd.s32 $0xFFFFFE00  }
0x140: {  	_ =	sfence.sel $0x180000  }
0x141: {  	[bflag:$0x0] =	sbarrier.arrive $0xFFFF  }
0x142: {  	p0 =	sne.s32 s1, $0x0;
	_ =	strace $0x90000047  }
0x143: {  	s0 =	sadd.s32 @!p0 $0x100000, s0;
	[bflag:$0x2] =	sbarrier.arrive $0xFFFF  }
0x144: {  	[sflag:s0] =	ssyncadd.tile.s32 @!p0 $0x1;
	_ =	shalt  }
.Lfunc_end2:
_tile_overlayer_lowered:
.L_overlay_start_2:
0x145: {  	(tag) =	ssettag $0x2  }
0x146: {  	s0 =	rddreg [dreg:$0x0];
	s2 =	stileid.u32  }
0x147: {  	s1 =	rddreg [dreg:$0x1];
	p0 =	sne.s32 s2, $0x0  }
0x148: {  	s3 =	rddreg [dreg:$0x2];
	[bflag:$0x3] =	sbarrier.arrive $0xFFFF;
	s2 =	simm.s32 @!p0 $0x1C03  }
0x149: {  	[timem:s3], [sflag:s2] =	dma.local @!p0 [hbm:s0], s1  }
0x14a: {  	s0 =	simm.s32 @!p0 $0x3  }
0x14b: {  	_ =	swait.ge @!p0 [sflag:s0], s1  }
0x14c: {  	s1 =	ssub.s32 @!p0 $0x0, s1;
	[sflag:s0] =	ssyncset.done @!p0 $0x0  }
0x14d: {  	[sflag:s0] =	ssyncadd.s32 @!p0 s1  }
0x14e: {  	[bflag:$0x3] =	sbarrier.arrive $0xFFFF  }
0x14f: {  	_ =	shalt  }

</sc_bundles>
